<compile_context>
chip_gen: v7x
topology: tpu7x:2x2x1
jax: 0.10.2.dev20260603
libtpu: 0.0.44.dev20260713+nightly
codegen_flags: <defaults>
</compile_context>

<pallas_src>
import functools

import jax
import jax.numpy as jnp
from jax import lax
from jax.experimental import pallas as pl
from jax.experimental.pallas import tpu as pltpu
from jax.experimental.pallas import tpu_sc as plsc

B = 16384
S = 50
D = 32

NC = 2
NS = 16
NW = NC * NS
BBLK = 512
NBB = B // BBLK
UNITS = S * NBB
UNITS_PER_W = UNITS // NW

_mesh = plsc.VectorSubcoreMesh(core_axis_name="c", subcore_axis_name="s")


@functools.partial(
    pl.kernel,
    mesh=_mesh,
    out_type=jax.ShapeDtypeStruct((S, D, B), jnp.float32),
    scratch_types=[
        pltpu.VMEM((BBLK,), jnp.int32),
        pltpu.VMEM((BBLK,), jnp.int32),
        pltpu.VMEM((BBLK, D), jnp.float32),
        pltpu.VMEM((BBLK, D), jnp.float32),
        pltpu.VMEM((D, BBLK), jnp.float32),
        pltpu.VMEM((D, BBLK), jnp.float32),
        pltpu.SemaphoreType.DMA,
        pltpu.SemaphoreType.DMA,
        pltpu.SemaphoreType.DMA,
        pltpu.SemaphoreType.DMA,
    ],
    compiler_params=pltpu.CompilerParams(use_tc_tiling_on_sc=False,
                                         needs_layout_passes=False),
)
def _gather_kernel(idx_hbm, table_hbm, out_hbm,
                   idx0, idx1, g0, g1, t0, t1,
                   gsem0, gsem1, ssem0, ssem1):
    idxs = (idx0, idx1)
    gs = (g0, g1)
    ts = (t0, t1)
    gsems = (gsem0, gsem1)
    ssems = (ssem0, ssem1)

    wid = lax.axis_index("s") * NC + lax.axis_index("c")
    base_rows = lax.iota(jnp.int32, 16)

    def s_bb(k):
        u = wid * UNITS_PER_W + k
        return u // NBB, u % NBB

    def load_idx(k, v):
        s, bb = s_bb(k)
        pltpu.sync_copy(idx_hbm.at[s, pl.ds(bb * BBLK, BBLK)], idxs[v])

    def gather_desc(v):
        return pltpu.make_async_copy(table_hbm.at[idxs[v]], gs[v], gsems[v])

    def store_desc(k, v):
        s, bb = s_bb(k)
        return pltpu.make_async_copy(
            ts[v], out_hbm.at[s, :, pl.ds(bb * BBLK, BBLK)], ssems[v])

    def transpose(v):
        g_v, t_v = gs[v], ts[v]

        @plsc.parallel_loop(0, BBLK // 16, unroll=2)
        def tbody(g):
            rows = base_rows + g * 16
            vals = [plsc.load_gather(g_v, [rows, jnp.full((16,), d, jnp.int32)])
                    for d in range(D)]
            for d in range(D):
                t_v[d, pl.ds(g * 16, 16)] = vals[d]

    load_idx(0, 0)
    gather_desc(0).start()

    def pair(p, carry):
        for v in (0, 1):
            k = 2 * p + v
            nk = k + 1
            gather_desc(v).wait()

            @pl.when(nk < UNITS_PER_W)
            def _():
                load_idx(nk, 1 - v)
                gather_desc(1 - v).start()

            @pl.when(k >= 2)
            def _():
                store_desc(k - 2, v).wait()

            transpose(v)
            store_desc(k, v).start()
        return carry

    lax.fori_loop(0, UNITS_PER_W // 2, pair, 0)

    store_desc(UNITS_PER_W - 2, 0).wait()
    store_desc(UNITS_PER_W - 1, 1).wait()


def kernel(inputs, table):
    idx_t = inputs.T.astype(jnp.int32)
    out_t = _gather_kernel(idx_t, table)
    return jnp.transpose(out_t, (2, 0, 1))

# --- scband reference (transcript-rebuilt; emitter-appended) ---
"""Pipeline reference for scband-simple-word2-vec-317827580744 (READ-ONLY COPY).

The authoritative reference and input builder live on the scoring server;
editing this copy changes nothing except your own understanding.
"""

import jax, jax.numpy as jnp
import numpy as np

VOCAB = 1000000
DIM = 32

def setup_inputs(seed: int = 0) -> dict:
    key = jax.random.key(seed)
    k1, k2 = jax.random.split(key)
    inputs = jax.random.randint(k1, (16384, 50), 0, VOCAB, dtype=jnp.int64 if jax.config.jax_enable_x64 else jnp.int32)
    table = jax.random.normal(k2, (VOCAB, DIM), dtype=jnp.float32)
    return {"inputs": inputs, "table": table}

def reference(inputs, table):
    # torch.nn.Embedding forward: gather rows of the table by index
    return jnp.take(table, inputs, axis=0)

if __name__ == "__main__":
    import jax
    _d = setup_inputs()
    print(jax.jit(kernel)(*tuple(_d.values())))

</pallas_src>

<mosaic_0001>
#map = affine_map<(d0, d1) -> (0, 0)>
#map1 = affine_map<(d0, d1) -> (0, 0, 0)>
module attributes {stable_mosaic.version = 14 : i64} {
  func.func @_gather_kernel(%arg0: i32, %arg1: i32, %arg2: memref<50x16384xi32, #tpu.memory_space<hbm>>, %arg3: memref<1000000x32xf32, #tpu.memory_space<hbm>>, %arg4: memref<50x32x16384xf32, #tpu.memory_space<hbm>>, %arg5: memref<512xi32, #tpu.memory_space<vmem>>, %arg6: memref<512xi32, #tpu.memory_space<vmem>>, %arg7: memref<512x32xf32, #tpu.memory_space<vmem>>, %arg8: memref<512x32xf32, #tpu.memory_space<vmem>>, %arg9: memref<32x512xf32, #tpu.memory_space<vmem>>, %arg10: memref<32x512xf32, #tpu.memory_space<vmem>>, %arg11: memref<!tpu.dma_semaphore, #tpu.memory_space<semaphore_mem>>, %arg12: memref<!tpu.dma_semaphore, #tpu.memory_space<semaphore_mem>>, %arg13: memref<!tpu.dma_semaphore, #tpu.memory_space<semaphore_mem>>, %arg14: memref<!tpu.dma_semaphore, #tpu.memory_space<semaphore_mem>>) attributes {dimension_semantics = [#tpu.dimension_semantics<core_parallel>, #tpu.dimension_semantics<subcore_parallel>], iteration_bounds = array<i64: 2, 16>, scalar_prefetch = 0 : i64, scratch_operands = 10 : i64, tpu.core_type = #tpu.core_type<sc_vector_subcore>, window_params = [{transform_indices = #map}, {transform_indices = #map}, {transform_indices = #map1}]} {
    %mul3A = arith.constant 2 : i32
    %mul3A_0 = arith.muli %arg1, %mul3A : i32
    %add3A = arith.addi %mul3A_0, %arg0 : i32
    %iota3A = tpu.iota {dimensions = array<i32: 0>} : vector<16xi32>
    %mul3A_1 = arith.constant 50 : i32
    %mul3A_2 = arith.muli %add3A, %mul3A_1 : i32
    %add3A_3 = arith.constant 0 : i32
    %add3A_4 = arith.addi %mul3A_2, %add3A_3 : i32
    %jit3A = arith.constant 32 : i32
    %div3A = arith.divsi %add3A_4, %jit3A : i32
    %sign3A = arith.constant 0 : i32
    %sign3A_5 = arith.cmpi sgt, %add3A_4, %sign3A : i32
    %sign3A_6 = arith.extui %sign3A_5 : i1 to i32
    %sign3A_7 = arith.constant 0 : i32
    %sign3A_8 = arith.cmpi slt, %add3A_4, %sign3A_7 : i32
    %sign3A_9 = arith.extui %sign3A_8 : i1 to i32
    %sign3A_10 = arith.subi %sign3A_6, %sign3A_9 : i32
    %sign3A_11 = arith.constant 0 : i32
    %sign3A_12 = arith.cmpi sgt, %jit3A, %sign3A_11 : i32
    %sign3A_13 = arith.extui %sign3A_12 : i1 to i32
    %sign3A_14 = arith.constant 0 : i32
    %sign3A_15 = arith.cmpi slt, %jit3A, %sign3A_14 : i32
    %sign3A_16 = arith.extui %sign3A_15 : i1 to i32
    %sign3A_17 = arith.subi %sign3A_13, %sign3A_16 : i32
    %ne3A = arith.cmpi ne, %sign3A_10, %sign3A_17 : i32
    %rem3A = arith.remsi %add3A_4, %jit3A : i32
    %ne3A_18 = arith.constant 0 : i32
    %ne3A_19 = arith.cmpi ne, %rem3A, %ne3A_18 : i32
    %and3A = arith.andi %ne3A, %ne3A_19 : i1
    %sub3A = arith.constant 1 : i32
    %sub3A_20 = arith.subi %div3A, %sub3A : i32
    %select_n3A = arith.select %and3A, %sub3A_20, %div3A : i32
    %jit3A_21 = arith.constant 32 : i32
    %eq3A = arith.constant 0 : i32
    %eq3A_22 = arith.cmpi eq, %jit3A_21, %eq3A : i32
    %jit3A_23 = arith.constant 1 : i32
    %select_n3A_24 = arith.select %eq3A_22, %jit3A_23, %jit3A_21 : i32
    %rem3A_25 = arith.remsi %add3A_4, %select_n3A_24 : i32
    %ne3A_26 = arith.constant 0 : i32
    %ne3A_27 = arith.cmpi ne, %rem3A_25, %ne3A_26 : i32
    %lt3A = arith.constant 0 : i32
    %lt3A_28 = arith.cmpi slt, %rem3A_25, %lt3A : i32
    %lt3A_29 = arith.constant 0 : i32
    %lt3A_30 = arith.cmpi slt, %select_n3A_24, %lt3A_29 : i32
    %ne3A_31 = arith.xori %lt3A_28, %lt3A_30 : i1
    %and3A_32 = arith.andi %ne3A_31, %ne3A_27 : i1
    %add3A_33 = arith.addi %rem3A_25, %select_n3A_24 : i32
    %select_n3A_34 = arith.select %and3A_32, %add3A_33, %rem3A_25 : i32
    %mul3A_35 = arith.constant 512 : i32
    %mul3A_36 = arith.muli %select_n3A_34, %mul3A_35 : i32
    "tpu.region"() ({
      %run_scoped3A = tpu.sem_alloc : memref<!tpu.dma_semaphore, #tpu.memory_space<semaphore_mem>>
      %dma_start3A_147 = tpu.memref_slice %arg2[%select_n3A, %mul3A_36] : memref<50x16384xi32, #tpu.memory_space<hbm>> -> memref<1x512xi32, #tpu.memory_space<hbm>>
      %dma_start3A_148 = tpu.memref_squeeze %dma_start3A_147 : memref<1x512xi32, #tpu.memory_space<hbm>> -> memref<512xi32, #tpu.memory_space<hbm>>
      %dma_start3A_149 = tpu.memref_slice %arg2[%select_n3A, %mul3A_36] : memref<50x16384xi32, #tpu.memory_space<hbm>> -> memref<1x512xi32, #tpu.memory_space<hbm>>
      %dma_start3A_150 = tpu.memref_squeeze %dma_start3A_149 : memref<1x512xi32, #tpu.memory_space<hbm>> -> memref<512xi32, #tpu.memory_space<hbm>>
      tpu.enqueue_dma source(%dma_start3A_150 : memref<512xi32, #tpu.memory_space<hbm>>) target(%arg5 : memref<512xi32, #tpu.memory_space<vmem>>) target_semaphore(%run_scoped3A : memref<!tpu.dma_semaphore, #tpu.memory_space<semaphore_mem>>)
      %dma_wait3A_151 = tpu.memref_slice %arg2[%select_n3A, %mul3A_36] : memref<50x16384xi32, #tpu.memory_space<hbm>> -> memref<1x512xi32, #tpu.memory_space<hbm>>
      %dma_wait3A_152 = tpu.memref_squeeze %dma_wait3A_151 : memref<1x512xi32, #tpu.memory_space<hbm>> -> memref<512xi32, #tpu.memory_space<hbm>>
      %dma_wait3A_153 = tpu.memref_slice %arg2[%select_n3A, %mul3A_36] : memref<50x16384xi32, #tpu.memory_space<hbm>> -> memref<1x512xi32, #tpu.memory_space<hbm>>
      %dma_wait3A_154 = tpu.memref_squeeze %dma_wait3A_153 : memref<1x512xi32, #tpu.memory_space<hbm>> -> memref<512xi32, #tpu.memory_space<hbm>>
      tpu.wait_dma2 semaphore(%run_scoped3A : memref<!tpu.dma_semaphore, #tpu.memory_space<semaphore_mem>>) src(%dma_wait3A_154 : memref<512xi32, #tpu.memory_space<hbm>>) dst(%arg5 : memref<512xi32, #tpu.memory_space<vmem>>)
      tpu.yield
    }) : () -> ()
    %dma_start3A = arith.constant 0 : i32
    %dma_start3A_37 = arith.constant 0 : i32
    %dma_start3A_38 = tpu.memref_slice %arg3[%dma_start3A, %dma_start3A_37] : memref<1000000x32xf32, #tpu.memory_space<hbm>> -> memref<1000000x32xf32, #tpu.memory_space<hbm>>
    tpu.enqueue_indirect_dma source(%dma_start3A_38 : memref<1000000x32xf32, #tpu.memory_space<hbm>>) target(%arg7 : memref<512x32xf32, #tpu.memory_space<vmem>>) offsets(%arg5 : memref<512xi32, #tpu.memory_space<vmem>>) semaphore(%arg11 : memref<!tpu.dma_semaphore, #tpu.memory_space<semaphore_mem>>)
    %scan3A = arith.constant 0 : i32
    %scan3A_39 = arith.constant 0 : i32
    %scan3A_40 = arith.constant 25 : i32
    %scan3A_41 = arith.addi %scan3A_39, %scan3A_40 : i32
    %scan3A_42 = arith.constant 1 : i32
    scf.for %scan3A_147 = %scan3A_39 to %scan3A_41 step %scan3A_42  : i32 {
      %mul3A_148 = arith.constant 2 : i32
      %mul3A_149 = arith.muli %mul3A_148, %scan3A_147 : i32
      %add3A_150 = arith.constant 0 : i32
      %add3A_151 = arith.addi %mul3A_149, %add3A_150 : i32
      %add3A_152 = arith.constant 1 : i32
      %add3A_153 = arith.addi %add3A_151, %add3A_152 : i32
      %dma_wait3A_154 = arith.constant 0 : i32
      %dma_wait3A_155 = arith.constant 0 : i32
      %dma_wait3A_156 = tpu.memref_slice %arg3[%dma_wait3A_154, %dma_wait3A_155] : memref<1000000x32xf32, #tpu.memory_space<hbm>> -> memref<1000000x32xf32, #tpu.memory_space<hbm>>
      tpu.wait_indirect_dma semaphore(%arg11 : memref<!tpu.dma_semaphore, #tpu.memory_space<semaphore_mem>>) src(%dma_wait3A_156 : memref<1000000x32xf32, #tpu.memory_space<hbm>>) dst(%arg7 : memref<512x32xf32, #tpu.memory_space<vmem>>)
      %lt3A_157 = arith.constant 50 : i32
      %lt3A_158 = arith.cmpi slt, %add3A_153, %lt3A_157 : i32
      %convert_element_type3A = arith.extui %lt3A_158 : i1 to i32
      %cond3A = arith.constant 0 : i32
      %cond3A_159 = arith.cmpi ne, %convert_element_type3A, %cond3A : i32
      scf.if %cond3A_159 {
        %mul3A_290 = arith.constant 50 : i32
        %mul3A_291 = arith.muli %add3A, %mul3A_290 : i32
        %add3A_292 = arith.addi %mul3A_291, %add3A_153 : i32
        %jit3A_293 = arith.constant 32 : i32
        %div3A_294 = arith.divsi %add3A_292, %jit3A_293 : i32
        %sign3A_295 = arith.constant 0 : i32
        %sign3A_296 = arith.cmpi sgt, %add3A_292, %sign3A_295 : i32
        %sign3A_297 = arith.extui %sign3A_296 : i1 to i32
        %sign3A_298 = arith.constant 0 : i32
        %sign3A_299 = arith.cmpi slt, %add3A_292, %sign3A_298 : i32
        %sign3A_300 = arith.extui %sign3A_299 : i1 to i32
        %sign3A_301 = arith.subi %sign3A_297, %sign3A_300 : i32
        %sign3A_302 = arith.constant 0 : i32
        %sign3A_303 = arith.cmpi sgt, %jit3A_293, %sign3A_302 : i32
        %sign3A_304 = arith.extui %sign3A_303 : i1 to i32
        %sign3A_305 = arith.constant 0 : i32
        %sign3A_306 = arith.cmpi slt, %jit3A_293, %sign3A_305 : i32
        %sign3A_307 = arith.extui %sign3A_306 : i1 to i32
        %sign3A_308 = arith.subi %sign3A_304, %sign3A_307 : i32
        %ne3A_309 = arith.cmpi ne, %sign3A_301, %sign3A_308 : i32
        %rem3A_310 = arith.remsi %add3A_292, %jit3A_293 : i32
        %ne3A_311 = arith.constant 0 : i32
        %ne3A_312 = arith.cmpi ne, %rem3A_310, %ne3A_311 : i32
        %and3A_313 = arith.andi %ne3A_309, %ne3A_312 : i1
        %sub3A_314 = arith.constant 1 : i32
        %sub3A_315 = arith.subi %div3A_294, %sub3A_314 : i32
        %select_n3A_316 = arith.select %and3A_313, %sub3A_315, %div3A_294 : i32
        %jit3A_317 = arith.constant 32 : i32
        %eq3A_318 = arith.constant 0 : i32
        %eq3A_319 = arith.cmpi eq, %jit3A_317, %eq3A_318 : i32
        %jit3A_320 = arith.constant 1 : i32
        %select_n3A_321 = arith.select %eq3A_319, %jit3A_320, %jit3A_317 : i32
        %rem3A_322 = arith.remsi %add3A_292, %select_n3A_321 : i32
        %ne3A_323 = arith.constant 0 : i32
        %ne3A_324 = arith.cmpi ne, %rem3A_322, %ne3A_323 : i32
        %lt3A_325 = arith.constant 0 : i32
        %lt3A_326 = arith.cmpi slt, %rem3A_322, %lt3A_325 : i32
        %lt3A_327 = arith.constant 0 : i32
        %lt3A_328 = arith.cmpi slt, %select_n3A_321, %lt3A_327 : i32
        %ne3A_329 = arith.xori %lt3A_326, %lt3A_328 : i1
        %and3A_330 = arith.andi %ne3A_329, %ne3A_324 : i1
        %add3A_331 = arith.addi %rem3A_322, %select_n3A_321 : i32
        %select_n3A_332 = arith.select %and3A_330, %add3A_331, %rem3A_322 : i32
        %mul3A_333 = arith.constant 512 : i32
        %mul3A_334 = arith.muli %select_n3A_332, %mul3A_333 : i32
        "tpu.region"() ({
          %run_scoped3A = tpu.sem_alloc : memref<!tpu.dma_semaphore, #tpu.memory_space<semaphore_mem>>
          %dma_start3A_338 = tpu.memref_slice %arg2[%select_n3A_316, %mul3A_334] : memref<50x16384xi32, #tpu.memory_space<hbm>> -> memref<1x512xi32, #tpu.memory_space<hbm>>
          %dma_start3A_339 = tpu.memref_squeeze %dma_start3A_338 : memref<1x512xi32, #tpu.memory_space<hbm>> -> memref<512xi32, #tpu.memory_space<hbm>>
          %dma_start3A_340 = tpu.memref_slice %arg2[%select_n3A_316, %mul3A_334] : memref<50x16384xi32, #tpu.memory_space<hbm>> -> memref<1x512xi32, #tpu.memory_space<hbm>>
          %dma_start3A_341 = tpu.memref_squeeze %dma_start3A_340 : memref<1x512xi32, #tpu.memory_space<hbm>> -> memref<512xi32, #tpu.memory_space<hbm>>
          tpu.enqueue_dma source(%dma_start3A_341 : memref<512xi32, #tpu.memory_space<hbm>>) target(%arg6 : memref<512xi32, #tpu.memory_space<vmem>>) target_semaphore(%run_scoped3A : memref<!tpu.dma_semaphore, #tpu.memory_space<semaphore_mem>>)
          %dma_wait3A_342 = tpu.memref_slice %arg2[%select_n3A_316, %mul3A_334] : memref<50x16384xi32, #tpu.memory_space<hbm>> -> memref<1x512xi32, #tpu.memory_space<hbm>>
          %dma_wait3A_343 = tpu.memref_squeeze %dma_wait3A_342 : memref<1x512xi32, #tpu.memory_space<hbm>> -> memref<512xi32, #tpu.memory_space<hbm>>
          %dma_wait3A_344 = tpu.memref_slice %arg2[%select_n3A_316, %mul3A_334] : memref<50x16384xi32, #tpu.memory_space<hbm>> -> memref<1x512xi32, #tpu.memory_space<hbm>>
          %dma_wait3A_345 = tpu.memref_squeeze %dma_wait3A_344 : memref<1x512xi32, #tpu.memory_space<hbm>> -> memref<512xi32, #tpu.memory_space<hbm>>
          tpu.wait_dma2 semaphore(%run_scoped3A : memref<!tpu.dma_semaphore, #tpu.memory_space<semaphore_mem>>) src(%dma_wait3A_345 : memref<512xi32, #tpu.memory_space<hbm>>) dst(%arg6 : memref<512xi32, #tpu.memory_space<vmem>>)
          tpu.yield
        }) : () -> ()
        %dma_start3A_335 = arith.constant 0 : i32
        %dma_start3A_336 = arith.constant 0 : i32
        %dma_start3A_337 = tpu.memref_slice %arg3[%dma_start3A_335, %dma_start3A_336] : memref<1000000x32xf32, #tpu.memory_space<hbm>> -> memref<1000000x32xf32, #tpu.memory_space<hbm>>
        tpu.enqueue_indirect_dma source(%dma_start3A_337 : memref<1000000x32xf32, #tpu.memory_space<hbm>>) target(%arg8 : memref<512x32xf32, #tpu.memory_space<vmem>>) offsets(%arg6 : memref<512xi32, #tpu.memory_space<vmem>>) semaphore(%arg12 : memref<!tpu.dma_semaphore, #tpu.memory_space<semaphore_mem>>)
      } else {
      }
      %ge3A = arith.constant 2 : i32
      %ge3A_160 = arith.cmpi sge, %add3A_151, %ge3A : i32
      %convert_element_type3A_161 = arith.extui %ge3A_160 : i1 to i32
      %cond3A_162 = arith.constant 0 : i32
      %cond3A_163 = arith.cmpi ne, %convert_element_type3A_161, %cond3A_162 : i32
      scf.if %cond3A_163 {
        %sub3A_290 = arith.constant 2 : i32
        %sub3A_291 = arith.subi %add3A_151, %sub3A_290 : i32
        %mul3A_292 = arith.constant 50 : i32
        %mul3A_293 = arith.muli %add3A, %mul3A_292 : i32
        %add3A_294 = arith.addi %mul3A_293, %sub3A_291 : i32
        %jit3A_295 = arith.constant 32 : i32
        %div3A_296 = arith.divsi %add3A_294, %jit3A_295 : i32
        %sign3A_297 = arith.constant 0 : i32
        %sign3A_298 = arith.cmpi sgt, %add3A_294, %sign3A_297 : i32
        %sign3A_299 = arith.extui %sign3A_298 : i1 to i32
        %sign3A_300 = arith.constant 0 : i32
        %sign3A_301 = arith.cmpi slt, %add3A_294, %sign3A_300 : i32
        %sign3A_302 = arith.extui %sign3A_301 : i1 to i32
        %sign3A_303 = arith.subi %sign3A_299, %sign3A_302 : i32
        %sign3A_304 = arith.constant 0 : i32
        %sign3A_305 = arith.cmpi sgt, %jit3A_295, %sign3A_304 : i32
        %sign3A_306 = arith.extui %sign3A_305 : i1 to i32
        %sign3A_307 = arith.constant 0 : i32
        %sign3A_308 = arith.cmpi slt, %jit3A_295, %sign3A_307 : i32
        %sign3A_309 = arith.extui %sign3A_308 : i1 to i32
        %sign3A_310 = arith.subi %sign3A_306, %sign3A_309 : i32
        %ne3A_311 = arith.cmpi ne, %sign3A_303, %sign3A_310 : i32
        %rem3A_312 = arith.remsi %add3A_294, %jit3A_295 : i32
        %ne3A_313 = arith.constant 0 : i32
        %ne3A_314 = arith.cmpi ne, %rem3A_312, %ne3A_313 : i32
        %and3A_315 = arith.andi %ne3A_311, %ne3A_314 : i1
        %sub3A_316 = arith.constant 1 : i32
        %sub3A_317 = arith.subi %div3A_296, %sub3A_316 : i32
        %select_n3A_318 = arith.select %and3A_315, %sub3A_317, %div3A_296 : i32
        %jit3A_319 = arith.constant 32 : i32
        %eq3A_320 = arith.constant 0 : i32
        %eq3A_321 = arith.cmpi eq, %jit3A_319, %eq3A_320 : i32
        %jit3A_322 = arith.constant 1 : i32
        %select_n3A_323 = arith.select %eq3A_321, %jit3A_322, %jit3A_319 : i32
        %rem3A_324 = arith.remsi %add3A_294, %select_n3A_323 : i32
        %ne3A_325 = arith.constant 0 : i32
        %ne3A_326 = arith.cmpi ne, %rem3A_324, %ne3A_325 : i32
        %lt3A_327 = arith.constant 0 : i32
        %lt3A_328 = arith.cmpi slt, %rem3A_324, %lt3A_327 : i32
        %lt3A_329 = arith.constant 0 : i32
        %lt3A_330 = arith.cmpi slt, %select_n3A_323, %lt3A_329 : i32
        %ne3A_331 = arith.xori %lt3A_328, %lt3A_330 : i1
        %and3A_332 = arith.andi %ne3A_331, %ne3A_326 : i1
        %add3A_333 = arith.addi %rem3A_324, %select_n3A_323 : i32
        %select_n3A_334 = arith.select %and3A_332, %add3A_333, %rem3A_324 : i32
        %mul3A_335 = arith.constant 512 : i32
        %mul3A_336 = arith.muli %select_n3A_334, %mul3A_335 : i32
        %dma_wait3A_337 = arith.constant 0 : i32
        %dma_wait3A_338 = tpu.memref_slice %arg4[%select_n3A_318, %dma_wait3A_337, %mul3A_336] : memref<50x32x16384xf32, #tpu.memory_space<hbm>> -> memref<1x32x512xf32, #tpu.memory_space<hbm>>
        %dma_wait3A_339 = tpu.memref_squeeze %dma_wait3A_338 : memref<1x32x512xf32, #tpu.memory_space<hbm>> -> memref<32x512xf32, #tpu.memory_space<hbm>>
        %dma_wait3A_340 = arith.constant 0 : i32
        %dma_wait3A_341 = tpu.memref_slice %arg4[%select_n3A_318, %dma_wait3A_340, %mul3A_336] : memref<50x32x16384xf32, #tpu.memory_space<hbm>> -> memref<1x32x512xf32, #tpu.memory_space<hbm>>
        %dma_wait3A_342 = tpu.memref_squeeze %dma_wait3A_341 : memref<1x32x512xf32, #tpu.memory_space<hbm>> -> memref<32x512xf32, #tpu.memory_space<hbm>>
        tpu.wait_dma2 semaphore(%arg13 : memref<!tpu.dma_semaphore, #tpu.memory_space<semaphore_mem>>) src(%arg9 : memref<32x512xf32, #tpu.memory_space<vmem>>) dst(%dma_wait3A_342 : memref<32x512xf32, #tpu.memory_space<hbm>>)
      } else {
      }
      %parallel_loop3A = arith.constant 0 : i32
      %parallel_loop3A_164 = arith.constant 32 : i32
      %parallel_loop3A_165 = arith.constant 1 : i32
      scf.for %parallel_loop3A_290 = %parallel_loop3A to %parallel_loop3A_164 step %parallel_loop3A_165  : i32 {
        %parallel_loop3A_291 = arith.constant 16 : i32
        %parallel_loop3A_292 = arith.muli %parallel_loop3A_290, %parallel_loop3A_291 : i32
        %parallel_loop3A_293 = vector.broadcast %parallel_loop3A_292 : i32 to vector<16xi32>
        %parallel_loop3A_294 = arith.addi %iota3A, %parallel_loop3A_293 : vector<16xi32>
        %parallel_loop3A_295 = arith.constant 0 : i32
        %parallel_loop3A_296 = vector.broadcast %parallel_loop3A_295 : i32 to vector<16xi32>
        %parallel_loop3A_297 = tpu.vector_load_idx %arg7[%parallel_loop3A_294, %parallel_loop3A_296] : memref<512x32xf32, #tpu.memory_space<vmem>>[vector<16xi32>, vector<16xi32>], vector<16xf32>,
        %parallel_loop3A_298 = arith.constant 1 : i32
        %parallel_loop3A_299 = vector.broadcast %parallel_loop3A_298 : i32 to vector<16xi32>
        %parallel_loop3A_300 = tpu.vector_load_idx %arg7[%parallel_loop3A_294, %parallel_loop3A_299] : memref<512x32xf32, #tpu.memory_space<vmem>>[vector<16xi32>, vector<16xi32>], vector<16xf32>,
        %parallel_loop3A_301 = arith.constant 2 : i32
        %parallel_loop3A_302 = vector.broadcast %parallel_loop3A_301 : i32 to vector<16xi32>
        %parallel_loop3A_303 = tpu.vector_load_idx %arg7[%parallel_loop3A_294, %parallel_loop3A_302] : memref<512x32xf32, #tpu.memory_space<vmem>>[vector<16xi32>, vector<16xi32>], vector<16xf32>,
        %parallel_loop3A_304 = arith.constant 3 : i32
        %parallel_loop3A_305 = vector.broadcast %parallel_loop3A_304 : i32 to vector<16xi32>
        %parallel_loop3A_306 = tpu.vector_load_idx %arg7[%parallel_loop3A_294, %parallel_loop3A_305] : memref<512x32xf32, #tpu.memory_space<vmem>>[vector<16xi32>, vector<16xi32>], vector<16xf32>,
        %parallel_loop3A_307 = arith.constant 4 : i32
        %parallel_loop3A_308 = vector.broadcast %parallel_loop3A_307 : i32 to vector<16xi32>
        %parallel_loop3A_309 = tpu.vector_load_idx %arg7[%parallel_loop3A_294, %parallel_loop3A_308] : memref<512x32xf32, #tpu.memory_space<vmem>>[vector<16xi32>, vector<16xi32>], vector<16xf32>,
        %parallel_loop3A_310 = arith.constant 5 : i32
        %parallel_loop3A_311 = vector.broadcast %parallel_loop3A_310 : i32 to vector<16xi32>
        %parallel_loop3A_312 = tpu.vector_load_idx %arg7[%parallel_loop3A_294, %parallel_loop3A_311] : memref<512x32xf32, #tpu.memory_space<vmem>>[vector<16xi32>, vector<16xi32>], vector<16xf32>,
        %parallel_loop3A_313 = arith.constant 6 : i32
        %parallel_loop3A_314 = vector.broadcast %parallel_loop3A_313 : i32 to vector<16xi32>
        %parallel_loop3A_315 = tpu.vector_load_idx %arg7[%parallel_loop3A_294, %parallel_loop3A_314] : memref<512x32xf32, #tpu.memory_space<vmem>>[vector<16xi32>, vector<16xi32>], vector<16xf32>,
        %parallel_loop3A_316 = arith.constant 7 : i32
        %parallel_loop3A_317 = vector.broadcast %parallel_loop3A_316 : i32 to vector<16xi32>
        %parallel_loop3A_318 = tpu.vector_load_idx %arg7[%parallel_loop3A_294, %parallel_loop3A_317] : memref<512x32xf32, #tpu.memory_space<vmem>>[vector<16xi32>, vector<16xi32>], vector<16xf32>,
        %parallel_loop3A_319 = arith.constant 8 : i32
        %parallel_loop3A_320 = vector.broadcast %parallel_loop3A_319 : i32 to vector<16xi32>
        %parallel_loop3A_321 = tpu.vector_load_idx %arg7[%parallel_loop3A_294, %parallel_loop3A_320] : memref<512x32xf32, #tpu.memory_space<vmem>>[vector<16xi32>, vector<16xi32>], vector<16xf32>,
        %parallel_loop3A_322 = arith.constant 9 : i32
        %parallel_loop3A_323 = vector.broadcast %parallel_loop3A_322 : i32 to vector<16xi32>
        %parallel_loop3A_324 = tpu.vector_load_idx %arg7[%parallel_loop3A_294, %parallel_loop3A_323] : memref<512x32xf32, #tpu.memory_space<vmem>>[vector<16xi32>, vector<16xi32>], vector<16xf32>,
        %parallel_loop3A_325 = arith.constant 10 : i32
        %parallel_loop3A_326 = vector.broadcast %parallel_loop3A_325 : i32 to vector<16xi32>
        %parallel_loop3A_327 = tpu.vector_load_idx %arg7[%parallel_loop3A_294, %parallel_loop3A_326] : memref<512x32xf32, #tpu.memory_space<vmem>>[vector<16xi32>, vector<16xi32>], vector<16xf32>,
        %parallel_loop3A_328 = arith.constant 11 : i32
        %parallel_loop3A_329 = vector.broadcast %parallel_loop3A_328 : i32 to vector<16xi32>
        %parallel_loop3A_330 = tpu.vector_load_idx %arg7[%parallel_loop3A_294, %parallel_loop3A_329] : memref<512x32xf32, #tpu.memory_space<vmem>>[vector<16xi32>, vector<16xi32>], vector<16xf32>,
        %parallel_loop3A_331 = arith.constant 12 : i32
        %parallel_loop3A_332 = vector.broadcast %parallel_loop3A_331 : i32 to vector<16xi32>
        %parallel_loop3A_333 = tpu.vector_load_idx %arg7[%parallel_loop3A_294, %parallel_loop3A_332] : memref<512x32xf32, #tpu.memory_space<vmem>>[vector<16xi32>, vector<16xi32>], vector<16xf32>,
        %parallel_loop3A_334 = arith.constant 13 : i32
        %parallel_loop3A_335 = vector.broadcast %parallel_loop3A_334 : i32 to vector<16xi32>
        %parallel_loop3A_336 = tpu.vector_load_idx %arg7[%parallel_loop3A_294, %parallel_loop3A_335] : memref<512x32xf32, #tpu.memory_space<vmem>>[vector<16xi32>, vector<16xi32>], vector<16xf32>,
        %parallel_loop3A_337 = arith.constant 14 : i32
        %parallel_loop3A_338 = vector.broadcast %parallel_loop3A_337 : i32 to vector<16xi32>
        %parallel_loop3A_339 = tpu.vector_load_idx %arg7[%parallel_loop3A_294, %parallel_loop3A_338] : memref<512x32xf32, #tpu.memory_space<vmem>>[vector<16xi32>, vector<16xi32>], vector<16xf32>,
        %parallel_loop3A_340 = arith.constant 15 : i32
        %parallel_loop3A_341 = vector.broadcast %parallel_loop3A_340 : i32 to vector<16xi32>
        %parallel_loop3A_342 = tpu.vector_load_idx %arg7[%parallel_loop3A_294, %parallel_loop3A_341] : memref<512x32xf32, #tpu.memory_space<vmem>>[vector<16xi32>, vector<16xi32>], vector<16xf32>,
        %parallel_loop3A_343 = arith.constant 16 : i32
        %parallel_loop3A_344 = vector.broadcast %parallel_loop3A_343 : i32 to vector<16xi32>
        %parallel_loop3A_345 = tpu.vector_load_idx %arg7[%parallel_loop3A_294, %parallel_loop3A_344] : memref<512x32xf32, #tpu.memory_space<vmem>>[vector<16xi32>, vector<16xi32>], vector<16xf32>,
        %parallel_loop3A_346 = arith.constant 17 : i32
        %parallel_loop3A_347 = vector.broadcast %parallel_loop3A_346 : i32 to vector<16xi32>
        %parallel_loop3A_348 = tpu.vector_load_idx %arg7[%parallel_loop3A_294, %parallel_loop3A_347] : memref<512x32xf32, #tpu.memory_space<vmem>>[vector<16xi32>, vector<16xi32>], vector<16xf32>,
        %parallel_loop3A_349 = arith.constant 18 : i32
        %parallel_loop3A_350 = vector.broadcast %parallel_loop3A_349 : i32 to vector<16xi32>
        %parallel_loop3A_351 = tpu.vector_load_idx %arg7[%parallel_loop3A_294, %parallel_loop3A_350] : memref<512x32xf32, #tpu.memory_space<vmem>>[vector<16xi32>, vector<16xi32>], vector<16xf32>,
        %parallel_loop3A_352 = arith.constant 19 : i32
        %parallel_loop3A_353 = vector.broadcast %parallel_loop3A_352 : i32 to vector<16xi32>
        %parallel_loop3A_354 = tpu.vector_load_idx %arg7[%parallel_loop3A_294, %parallel_loop3A_353] : memref<512x32xf32, #tpu.memory_space<vmem>>[vector<16xi32>, vector<16xi32>], vector<16xf32>,
        %parallel_loop3A_355 = arith.constant 20 : i32
        %parallel_loop3A_356 = vector.broadcast %parallel_loop3A_355 : i32 to vector<16xi32>
        %parallel_loop3A_357 = tpu.vector_load_idx %arg7[%parallel_loop3A_294, %parallel_loop3A_356] : memref<512x32xf32, #tpu.memory_space<vmem>>[vector<16xi32>, vector<16xi32>], vector<16xf32>,
        %parallel_loop3A_358 = arith.constant 21 : i32
        %parallel_loop3A_359 = vector.broadcast %parallel_loop3A_358 : i32 to vector<16xi32>
        %parallel_loop3A_360 = tpu.vector_load_idx %arg7[%parallel_loop3A_294, %parallel_loop3A_359] : memref<512x32xf32, #tpu.memory_space<vmem>>[vector<16xi32>, vector<16xi32>], vector<16xf32>,
        %parallel_loop3A_361 = arith.constant 22 : i32
        %parallel_loop3A_362 = vector.broadcast %parallel_loop3A_361 : i32 to vector<16xi32>
        %parallel_loop3A_363 = tpu.vector_load_idx %arg7[%parallel_loop3A_294, %parallel_loop3A_362] : memref<512x32xf32, #tpu.memory_space<vmem>>[vector<16xi32>, vector<16xi32>], vector<16xf32>,
        %parallel_loop3A_364 = arith.constant 23 : i32
        %parallel_loop3A_365 = vector.broadcast %parallel_loop3A_364 : i32 to vector<16xi32>
        %parallel_loop3A_366 = tpu.vector_load_idx %arg7[%parallel_loop3A_294, %parallel_loop3A_365] : memref<512x32xf32, #tpu.memory_space<vmem>>[vector<16xi32>, vector<16xi32>], vector<16xf32>,
        %parallel_loop3A_367 = arith.constant 24 : i32
        %parallel_loop3A_368 = vector.broadcast %parallel_loop3A_367 : i32 to vector<16xi32>
        %parallel_loop3A_369 = tpu.vector_load_idx %arg7[%parallel_loop3A_294, %parallel_loop3A_368] : memref<512x32xf32, #tpu.memory_space<vmem>>[vector<16xi32>, vector<16xi32>], vector<16xf32>,
        %parallel_loop3A_370 = arith.constant 25 : i32
        %parallel_loop3A_371 = vector.broadcast %parallel_loop3A_370 : i32 to vector<16xi32>
        %parallel_loop3A_372 = tpu.vector_load_idx %arg7[%parallel_loop3A_294, %parallel_loop3A_371] : memref<512x32xf32, #tpu.memory_space<vmem>>[vector<16xi32>, vector<16xi32>], vector<16xf32>,
        %parallel_loop3A_373 = arith.constant 26 : i32
        %parallel_loop3A_374 = vector.broadcast %parallel_loop3A_373 : i32 to vector<16xi32>
        %parallel_loop3A_375 = tpu.vector_load_idx %arg7[%parallel_loop3A_294, %parallel_loop3A_374] : memref<512x32xf32, #tpu.memory_space<vmem>>[vector<16xi32>, vector<16xi32>], vector<16xf32>,
        %parallel_loop3A_376 = arith.constant 27 : i32
        %parallel_loop3A_377 = vector.broadcast %parallel_loop3A_376 : i32 to vector<16xi32>
        %parallel_loop3A_378 = tpu.vector_load_idx %arg7[%parallel_loop3A_294, %parallel_loop3A_377] : memref<512x32xf32, #tpu.memory_space<vmem>>[vector<16xi32>, vector<16xi32>], vector<16xf32>,
        %parallel_loop3A_379 = arith.constant 28 : i32
        %parallel_loop3A_380 = vector.broadcast %parallel_loop3A_379 : i32 to vector<16xi32>
        %parallel_loop3A_381 = tpu.vector_load_idx %arg7[%parallel_loop3A_294, %parallel_loop3A_380] : memref<512x32xf32, #tpu.memory_space<vmem>>[vector<16xi32>, vector<16xi32>], vector<16xf32>,
        %parallel_loop3A_382 = arith.constant 29 : i32
        %parallel_loop3A_383 = vector.broadcast %parallel_loop3A_382 : i32 to vector<16xi32>
        %parallel_loop3A_384 = tpu.vector_load_idx %arg7[%parallel_loop3A_294, %parallel_loop3A_383] : memref<512x32xf32, #tpu.memory_space<vmem>>[vector<16xi32>, vector<16xi32>], vector<16xf32>,
        %parallel_loop3A_385 = arith.constant 30 : i32
        %parallel_loop3A_386 = vector.broadcast %parallel_loop3A_385 : i32 to vector<16xi32>
        %parallel_loop3A_387 = tpu.vector_load_idx %arg7[%parallel_loop3A_294, %parallel_loop3A_386] : memref<512x32xf32, #tpu.memory_space<vmem>>[vector<16xi32>, vector<16xi32>], vector<16xf32>,
        %parallel_loop3A_388 = arith.constant 31 : i32
        %parallel_loop3A_389 = vector.broadcast %parallel_loop3A_388 : i32 to vector<16xi32>
        %parallel_loop3A_390 = tpu.vector_load_idx %arg7[%parallel_loop3A_294, %parallel_loop3A_389] : memref<512x32xf32, #tpu.memory_space<vmem>>[vector<16xi32>, vector<16xi32>], vector<16xf32>,
        %parallel_loop3A_391 = arith.constant 16 : i32
        %parallel_loop3A_392 = arith.muli %parallel_loop3A_290, %parallel_loop3A_391 : i32
        %parallel_loop3A_393 = arith.constant 0 : i32
        %parallel_loop3A_394 = arith.index_cast %parallel_loop3A_393 : i32 to index
        %parallel_loop3A_395 = arith.index_cast %parallel_loop3A_392 : i32 to index
        %parallel_loop3A_396 = tpu.vector_load %arg9[%parallel_loop3A_394, %parallel_loop3A_395] {strides = array<i32>} : memref<32x512xf32, #tpu.memory_space<vmem>>, vector<16xf32>,
        tpu.vector_store %arg9[%parallel_loop3A_394, %parallel_loop3A_395], %parallel_loop3A_297 {strides = array<i32>} : memref<32x512xf32, #tpu.memory_space<vmem>>, vector<16xf32>,
        %parallel_loop3A_397 = arith.constant 16 : i32
        %parallel_loop3A_398 = arith.muli %parallel_loop3A_290, %parallel_loop3A_397 : i32
        %parallel_loop3A_399 = arith.constant 1 : i32
        %parallel_loop3A_400 = arith.index_cast %parallel_loop3A_399 : i32 to index
        %parallel_loop3A_401 = arith.index_cast %parallel_loop3A_398 : i32 to index
        %parallel_loop3A_402 = tpu.vector_load %arg9[%parallel_loop3A_400, %parallel_loop3A_401] {strides = array<i32>} : memref<32x512xf32, #tpu.memory_space<vmem>>, vector<16xf32>,
        tpu.vector_store %arg9[%parallel_loop3A_400, %parallel_loop3A_401], %parallel_loop3A_300 {strides = array<i32>} : memref<32x512xf32, #tpu.memory_space<vmem>>, vector<16xf32>,
        %parallel_loop3A_403 = arith.constant 16 : i32
        %parallel_loop3A_404 = arith.muli %parallel_loop3A_290, %parallel_loop3A_403 : i32
        %parallel_loop3A_405 = arith.constant 2 : i32
        %parallel_loop3A_406 = arith.index_cast %parallel_loop3A_405 : i32 to index
        %parallel_loop3A_407 = arith.index_cast %parallel_loop3A_404 : i32 to index
        %parallel_loop3A_408 = tpu.vector_load %arg9[%parallel_loop3A_406, %parallel_loop3A_407] {strides = array<i32>} : memref<32x512xf32, #tpu.memory_space<vmem>>, vector<16xf32>,
        tpu.vector_store %arg9[%parallel_loop3A_406, %parallel_loop3A_407], %parallel_loop3A_303 {strides = array<i32>} : memref<32x512xf32, #tpu.memory_space<vmem>>, vector<16xf32>,
        %parallel_loop3A_409 = arith.constant 16 : i32
        %parallel_loop3A_410 = arith.muli %parallel_loop3A_290, %parallel_loop3A_409 : i32
        %parallel_loop3A_411 = arith.constant 3 : i32
        %parallel_loop3A_412 = arith.index_cast %parallel_loop3A_411 : i32 to index
        %parallel_loop3A_413 = arith.index_cast %parallel_loop3A_410 : i32 to index
        %parallel_loop3A_414 = tpu.vector_load %arg9[%parallel_loop3A_412, %parallel_loop3A_413] {strides = array<i32>} : memref<32x512xf32, #tpu.memory_space<vmem>>, vector<16xf32>,
        tpu.vector_store %arg9[%parallel_loop3A_412, %parallel_loop3A_413], %parallel_loop3A_306 {strides = array<i32>} : memref<32x512xf32, #tpu.memory_space<vmem>>, vector<16xf32>,
        %parallel_loop3A_415 = arith.constant 16 : i32
        %parallel_loop3A_416 = arith.muli %parallel_loop3A_290, %parallel_loop3A_415 : i32
        %parallel_loop3A_417 = arith.constant 4 : i32
        %parallel_loop3A_418 = arith.index_cast %parallel_loop3A_417 : i32 to index
        %parallel_loop3A_419 = arith.index_cast %parallel_loop3A_416 : i32 to index
        %parallel_loop3A_420 = tpu.vector_load %arg9[%parallel_loop3A_418, %parallel_loop3A_419] {strides = array<i32>} : memref<32x512xf32, #tpu.memory_space<vmem>>, vector<16xf32>,
        tpu.vector_store %arg9[%parallel_loop3A_418, %parallel_loop3A_419], %parallel_loop3A_309 {strides = array<i32>} : memref<32x512xf32, #tpu.memory_space<vmem>>, vector<16xf32>,
        %parallel_loop3A_421 = arith.constant 16 : i32
        %parallel_loop3A_422 = arith.muli %parallel_loop3A_290, %parallel_loop3A_421 : i32
        %parallel_loop3A_423 = arith.constant 5 : i32
        %parallel_loop3A_424 = arith.index_cast %parallel_loop3A_423 : i32 to index
        %parallel_loop3A_425 = arith.index_cast %parallel_loop3A_422 : i32 to index
        %parallel_loop3A_426 = tpu.vector_load %arg9[%parallel_loop3A_424, %parallel_loop3A_425] {strides = array<i32>} : memref<32x512xf32, #tpu.memory_space<vmem>>, vector<16xf32>,
        tpu.vector_store %arg9[%parallel_loop3A_424, %parallel_loop3A_425], %parallel_loop3A_312 {strides = array<i32>} : memref<32x512xf32, #tpu.memory_space<vmem>>, vector<16xf32>,
        %parallel_loop3A_427 = arith.constant 16 : i32
        %parallel_loop3A_428 = arith.muli %parallel_loop3A_290, %parallel_loop3A_427 : i32
        %parallel_loop3A_429 = arith.constant 6 : i32
        %parallel_loop3A_430 = arith.index_cast %parallel_loop3A_429 : i32 to index
        %parallel_loop3A_431 = arith.index_cast %parallel_loop3A_428 : i32 to index
        %parallel_loop3A_432 = tpu.vector_load %arg9[%parallel_loop3A_430, %parallel_loop3A_431] {strides = array<i32>} : memref<32x512xf32, #tpu.memory_space<vmem>>, vector<16xf32>,
        tpu.vector_store %arg9[%parallel_loop3A_430, %parallel_loop3A_431], %parallel_loop3A_315 {strides = array<i32>} : memref<32x512xf32, #tpu.memory_space<vmem>>, vector<16xf32>,
        %parallel_loop3A_433 = arith.constant 16 : i32
        %parallel_loop3A_434 = arith.muli %parallel_loop3A_290, %parallel_loop3A_433 : i32
        %parallel_loop3A_435 = arith.constant 7 : i32
        %parallel_loop3A_436 = arith.index_cast %parallel_loop3A_435 : i32 to index
        %parallel_loop3A_437 = arith.index_cast %parallel_loop3A_434 : i32 to index
        %parallel_loop3A_438 = tpu.vector_load %arg9[%parallel_loop3A_436, %parallel_loop3A_437] {strides = array<i32>} : memref<32x512xf32, #tpu.memory_space<vmem>>, vector<16xf32>,
        tpu.vector_store %arg9[%parallel_loop3A_436, %parallel_loop3A_437], %parallel_loop3A_318 {strides = array<i32>} : memref<32x512xf32, #tpu.memory_space<vmem>>, vector<16xf32>,
        %parallel_loop3A_439 = arith.constant 16 : i32
        %parallel_loop3A_440 = arith.muli %parallel_loop3A_290, %parallel_loop3A_439 : i32
        %parallel_loop3A_441 = arith.constant 8 : i32
        %parallel_loop3A_442 = arith.index_cast %parallel_loop3A_441 : i32 to index
        %parallel_loop3A_443 = arith.index_cast %parallel_loop3A_440 : i32 to index
        %parallel_loop3A_444 = tpu.vector_load %arg9[%parallel_loop3A_442, %parallel_loop3A_443] {strides = array<i32>} : memref<32x512xf32, #tpu.memory_space<vmem>>, vector<16xf32>,
        tpu.vector_store %arg9[%parallel_loop3A_442, %parallel_loop3A_443], %parallel_loop3A_321 {strides = array<i32>} : memref<32x512xf32, #tpu.memory_space<vmem>>, vector<16xf32>,
        %parallel_loop3A_445 = arith.constant 16 : i32
        %parallel_loop3A_446 = arith.muli %parallel_loop3A_290, %parallel_loop3A_445 : i32
        %parallel_loop3A_447 = arith.constant 9 : i32
        %parallel_loop3A_448 = arith.index_cast %parallel_loop3A_447 : i32 to index
        %parallel_loop3A_449 = arith.index_cast %parallel_loop3A_446 : i32 to index
        %parallel_loop3A_450 = tpu.vector_load %arg9[%parallel_loop3A_448, %parallel_loop3A_449] {strides = array<i32>} : memref<32x512xf32, #tpu.memory_space<vmem>>, vector<16xf32>,
        tpu.vector_store %arg9[%parallel_loop3A_448, %parallel_loop3A_449], %parallel_loop3A_324 {strides = array<i32>} : memref<32x512xf32, #tpu.memory_space<vmem>>, vector<16xf32>,
        %parallel_loop3A_451 = arith.constant 16 : i32
        %parallel_loop3A_452 = arith.muli %parallel_loop3A_290, %parallel_loop3A_451 : i32
        %parallel_loop3A_453 = arith.constant 10 : i32
        %parallel_loop3A_454 = arith.index_cast %parallel_loop3A_453 : i32 to index
        %parallel_loop3A_455 = arith.index_cast %parallel_loop3A_452 : i32 to index
        %parallel_loop3A_456 = tpu.vector_load %arg9[%parallel_loop3A_454, %parallel_loop3A_455] {strides = array<i32>} : memref<32x512xf32, #tpu.memory_space<vmem>>, vector<16xf32>,
        tpu.vector_store %arg9[%parallel_loop3A_454, %parallel_loop3A_455], %parallel_loop3A_327 {strides = array<i32>} : memref<32x512xf32, #tpu.memory_space<vmem>>, vector<16xf32>,
        %parallel_loop3A_457 = arith.constant 16 : i32
        %parallel_loop3A_458 = arith.muli %parallel_loop3A_290, %parallel_loop3A_457 : i32
        %parallel_loop3A_459 = arith.constant 11 : i32
        %parallel_loop3A_460 = arith.index_cast %parallel_loop3A_459 : i32 to index
        %parallel_loop3A_461 = arith.index_cast %parallel_loop3A_458 : i32 to index
        %parallel_loop3A_462 = tpu.vector_load %arg9[%parallel_loop3A_460, %parallel_loop3A_461] {strides = array<i32>} : memref<32x512xf32, #tpu.memory_space<vmem>>, vector<16xf32>,
        tpu.vector_store %arg9[%parallel_loop3A_460, %parallel_loop3A_461], %parallel_loop3A_330 {strides = array<i32>} : memref<32x512xf32, #tpu.memory_space<vmem>>, vector<16xf32>,
        %parallel_loop3A_463 = arith.constant 16 : i32
        %parallel_loop3A_464 = arith.muli %parallel_loop3A_290, %parallel_loop3A_463 : i32
        %parallel_loop3A_465 = arith.constant 12 : i32
        %parallel_loop3A_466 = arith.index_cast %parallel_loop3A_465 : i32 to index
        %parallel_loop3A_467 = arith.index_cast %parallel_loop3A_464 : i32 to index
        %parallel_loop3A_468 = tpu.vector_load %arg9[%parallel_loop3A_466, %parallel_loop3A_467] {strides = array<i32>} : memref<32x512xf32, #tpu.memory_space<vmem>>, vector<16xf32>,
        tpu.vector_store %arg9[%parallel_loop3A_466, %parallel_loop3A_467], %parallel_loop3A_333 {strides = array<i32>} : memref<32x512xf32, #tpu.memory_space<vmem>>, vector<16xf32>,
        %parallel_loop3A_469 = arith.constant 16 : i32
        %parallel_loop3A_470 = arith.muli %parallel_loop3A_290, %parallel_loop3A_469 : i32
        %parallel_loop3A_471 = arith.constant 13 : i32
        %parallel_loop3A_472 = arith.index_cast %parallel_loop3A_471 : i32 to index
        %parallel_loop3A_473 = arith.index_cast %parallel_loop3A_470 : i32 to index
        %parallel_loop3A_474 = tpu.vector_load %arg9[%parallel_loop3A_472, %parallel_loop3A_473] {strides = array<i32>} : memref<32x512xf32, #tpu.memory_space<vmem>>, vector<16xf32>,
        tpu.vector_store %arg9[%parallel_loop3A_472, %parallel_loop3A_473], %parallel_loop3A_336 {strides = array<i32>} : memref<32x512xf32, #tpu.memory_space<vmem>>, vector<16xf32>,
        %parallel_loop3A_475 = arith.constant 16 : i32
        %parallel_loop3A_476 = arith.muli %parallel_loop3A_290, %parallel_loop3A_475 : i32
        %parallel_loop3A_477 = arith.constant 14 : i32
        %parallel_loop3A_478 = arith.index_cast %parallel_loop3A_477 : i32 to index
        %parallel_loop3A_479 = arith.index_cast %parallel_loop3A_476 : i32 to index
        %parallel_loop3A_480 = tpu.vector_load %arg9[%parallel_loop3A_478, %parallel_loop3A_479] {strides = array<i32>} : memref<32x512xf32, #tpu.memory_space<vmem>>, vector<16xf32>,
        tpu.vector_store %arg9[%parallel_loop3A_478, %parallel_loop3A_479], %parallel_loop3A_339 {strides = array<i32>} : memref<32x512xf32, #tpu.memory_space<vmem>>, vector<16xf32>,
        %parallel_loop3A_481 = arith.constant 16 : i32
        %parallel_loop3A_482 = arith.muli %parallel_loop3A_290, %parallel_loop3A_481 : i32
        %parallel_loop3A_483 = arith.constant 15 : i32
        %parallel_loop3A_484 = arith.index_cast %parallel_loop3A_483 : i32 to index
        %parallel_loop3A_485 = arith.index_cast %parallel_loop3A_482 : i32 to index
        %parallel_loop3A_486 = tpu.vector_load %arg9[%parallel_loop3A_484, %parallel_loop3A_485] {strides = array<i32>} : memref<32x512xf32, #tpu.memory_space<vmem>>, vector<16xf32>,
        tpu.vector_store %arg9[%parallel_loop3A_484, %parallel_loop3A_485], %parallel_loop3A_342 {strides = array<i32>} : memref<32x512xf32, #tpu.memory_space<vmem>>, vector<16xf32>,
        %parallel_loop3A_487 = arith.constant 16 : i32
        %parallel_loop3A_488 = arith.muli %parallel_loop3A_290, %parallel_loop3A_487 : i32
        %parallel_loop3A_489 = arith.constant 16 : i32
        %parallel_loop3A_490 = arith.index_cast %parallel_loop3A_489 : i32 to index
        %parallel_loop3A_491 = arith.index_cast %parallel_loop3A_488 : i32 to index
        %parallel_loop3A_492 = tpu.vector_load %arg9[%parallel_loop3A_490, %parallel_loop3A_491] {strides = array<i32>} : memref<32x512xf32, #tpu.memory_space<vmem>>, vector<16xf32>,
        tpu.vector_store %arg9[%parallel_loop3A_490, %parallel_loop3A_491], %parallel_loop3A_345 {strides = array<i32>} : memref<32x512xf32, #tpu.memory_space<vmem>>, vector<16xf32>,
        %parallel_loop3A_493 = arith.constant 16 : i32
        %parallel_loop3A_494 = arith.muli %parallel_loop3A_290, %parallel_loop3A_493 : i32
        %parallel_loop3A_495 = arith.constant 17 : i32
        %parallel_loop3A_496 = arith.index_cast %parallel_loop3A_495 : i32 to index
        %parallel_loop3A_497 = arith.index_cast %parallel_loop3A_494 : i32 to index
        %parallel_loop3A_498 = tpu.vector_load %arg9[%parallel_loop3A_496, %parallel_loop3A_497] {strides = array<i32>} : memref<32x512xf32, #tpu.memory_space<vmem>>, vector<16xf32>,
        tpu.vector_store %arg9[%parallel_loop3A_496, %parallel_loop3A_497], %parallel_loop3A_348 {strides = array<i32>} : memref<32x512xf32, #tpu.memory_space<vmem>>, vector<16xf32>,
        %parallel_loop3A_499 = arith.constant 16 : i32
        %parallel_loop3A_500 = arith.muli %parallel_loop3A_290, %parallel_loop3A_499 : i32
        %parallel_loop3A_501 = arith.constant 18 : i32
        %parallel_loop3A_502 = arith.index_cast %parallel_loop3A_501 : i32 to index
        %parallel_loop3A_503 = arith.index_cast %parallel_loop3A_500 : i32 to index
        %parallel_loop3A_504 = tpu.vector_load %arg9[%parallel_loop3A_502, %parallel_loop3A_503] {strides = array<i32>} : memref<32x512xf32, #tpu.memory_space<vmem>>, vector<16xf32>,
        tpu.vector_store %arg9[%parallel_loop3A_502, %parallel_loop3A_503], %parallel_loop3A_351 {strides = array<i32>} : memref<32x512xf32, #tpu.memory_space<vmem>>, vector<16xf32>,
        %parallel_loop3A_505 = arith.constant 16 : i32
        %parallel_loop3A_506 = arith.muli %parallel_loop3A_290, %parallel_loop3A_505 : i32
        %parallel_loop3A_507 = arith.constant 19 : i32
        %parallel_loop3A_508 = arith.index_cast %parallel_loop3A_507 : i32 to index
        %parallel_loop3A_509 = arith.index_cast %parallel_loop3A_506 : i32 to index
        %parallel_loop3A_510 = tpu.vector_load %arg9[%parallel_loop3A_508, %parallel_loop3A_509] {strides = array<i32>} : memref<32x512xf32, #tpu.memory_space<vmem>>, vector<16xf32>,
        tpu.vector_store %arg9[%parallel_loop3A_508, %parallel_loop3A_509], %parallel_loop3A_354 {strides = array<i32>} : memref<32x512xf32, #tpu.memory_space<vmem>>, vector<16xf32>,
        %parallel_loop3A_511 = arith.constant 16 : i32
        %parallel_loop3A_512 = arith.muli %parallel_loop3A_290, %parallel_loop3A_511 : i32
        %parallel_loop3A_513 = arith.constant 20 : i32
        %parallel_loop3A_514 = arith.index_cast %parallel_loop3A_513 : i32 to index
        %parallel_loop3A_515 = arith.index_cast %parallel_loop3A_512 : i32 to index
        %parallel_loop3A_516 = tpu.vector_load %arg9[%parallel_loop3A_514, %parallel_loop3A_515] {strides = array<i32>} : memref<32x512xf32, #tpu.memory_space<vmem>>, vector<16xf32>,
        tpu.vector_store %arg9[%parallel_loop3A_514, %parallel_loop3A_515], %parallel_loop3A_357 {strides = array<i32>} : memref<32x512xf32, #tpu.memory_space<vmem>>, vector<16xf32>,
        %parallel_loop3A_517 = arith.constant 16 : i32
        %parallel_loop3A_518 = arith.muli %parallel_loop3A_290, %parallel_loop3A_517 : i32
        %parallel_loop3A_519 = arith.constant 21 : i32
        %parallel_loop3A_520 = arith.index_cast %parallel_loop3A_519 : i32 to index
        %parallel_loop3A_521 = arith.index_cast %parallel_loop3A_518 : i32 to index
        %parallel_loop3A_522 = tpu.vector_load %arg9[%parallel_loop3A_520, %parallel_loop3A_521] {strides = array<i32>} : memref<32x512xf32, #tpu.memory_space<vmem>>, vector<16xf32>,
        tpu.vector_store %arg9[%parallel_loop3A_520, %parallel_loop3A_521], %parallel_loop3A_360 {strides = array<i32>} : memref<32x512xf32, #tpu.memory_space<vmem>>, vector<16xf32>,
        %parallel_loop3A_523 = arith.constant 16 : i32
        %parallel_loop3A_524 = arith.muli %parallel_loop3A_290, %parallel_loop3A_523 : i32
        %parallel_loop3A_525 = arith.constant 22 : i32
        %parallel_loop3A_526 = arith.index_cast %parallel_loop3A_525 : i32 to index
        %parallel_loop3A_527 = arith.index_cast %parallel_loop3A_524 : i32 to index
        %parallel_loop3A_528 = tpu.vector_load %arg9[%parallel_loop3A_526, %parallel_loop3A_527] {strides = array<i32>} : memref<32x512xf32, #tpu.memory_space<vmem>>, vector<16xf32>,
        tpu.vector_store %arg9[%parallel_loop3A_526, %parallel_loop3A_527], %parallel_loop3A_363 {strides = array<i32>} : memref<32x512xf32, #tpu.memory_space<vmem>>, vector<16xf32>,
        %parallel_loop3A_529 = arith.constant 16 : i32
        %parallel_loop3A_530 = arith.muli %parallel_loop3A_290, %parallel_loop3A_529 : i32
        %parallel_loop3A_531 = arith.constant 23 : i32
        %parallel_loop3A_532 = arith.index_cast %parallel_loop3A_531 : i32 to index
        %parallel_loop3A_533 = arith.index_cast %parallel_loop3A_530 : i32 to index
        %parallel_loop3A_534 = tpu.vector_load %arg9[%parallel_loop3A_532, %parallel_loop3A_533] {strides = array<i32>} : memref<32x512xf32, #tpu.memory_space<vmem>>, vector<16xf32>,
        tpu.vector_store %arg9[%parallel_loop3A_532, %parallel_loop3A_533], %parallel_loop3A_366 {strides = array<i32>} : memref<32x512xf32, #tpu.memory_space<vmem>>, vector<16xf32>,
        %parallel_loop3A_535 = arith.constant 16 : i32
        %parallel_loop3A_536 = arith.muli %parallel_loop3A_290, %parallel_loop3A_535 : i32
        %parallel_loop3A_537 = arith.constant 24 : i32
        %parallel_loop3A_538 = arith.index_cast %parallel_loop3A_537 : i32 to index
        %parallel_loop3A_539 = arith.index_cast %parallel_loop3A_536 : i32 to index
        %parallel_loop3A_540 = tpu.vector_load %arg9[%parallel_loop3A_538, %parallel_loop3A_539] {strides = array<i32>} : memref<32x512xf32, #tpu.memory_space<vmem>>, vector<16xf32>,
        tpu.vector_store %arg9[%parallel_loop3A_538, %parallel_loop3A_539], %parallel_loop3A_369 {strides = array<i32>} : memref<32x512xf32, #tpu.memory_space<vmem>>, vector<16xf32>,
        %parallel_loop3A_541 = arith.constant 16 : i32
        %parallel_loop3A_542 = arith.muli %parallel_loop3A_290, %parallel_loop3A_541 : i32
        %parallel_loop3A_543 = arith.constant 25 : i32
        %parallel_loop3A_544 = arith.index_cast %parallel_loop3A_543 : i32 to index
        %parallel_loop3A_545 = arith.index_cast %parallel_loop3A_542 : i32 to index
        %parallel_loop3A_546 = tpu.vector_load %arg9[%parallel_loop3A_544, %parallel_loop3A_545] {strides = array<i32>} : memref<32x512xf32, #tpu.memory_space<vmem>>, vector<16xf32>,
        tpu.vector_store %arg9[%parallel_loop3A_544, %parallel_loop3A_545], %parallel_loop3A_372 {strides = array<i32>} : memref<32x512xf32, #tpu.memory_space<vmem>>, vector<16xf32>,
        %parallel_loop3A_547 = arith.constant 16 : i32
        %parallel_loop3A_548 = arith.muli %parallel_loop3A_290, %parallel_loop3A_547 : i32
        %parallel_loop3A_549 = arith.constant 26 : i32
        %parallel_loop3A_550 = arith.index_cast %parallel_loop3A_549 : i32 to index
        %parallel_loop3A_551 = arith.index_cast %parallel_loop3A_548 : i32 to index
        %parallel_loop3A_552 = tpu.vector_load %arg9[%parallel_loop3A_550, %parallel_loop3A_551] {strides = array<i32>} : memref<32x512xf32, #tpu.memory_space<vmem>>, vector<16xf32>,
        tpu.vector_store %arg9[%parallel_loop3A_550, %parallel_loop3A_551], %parallel_loop3A_375 {strides = array<i32>} : memref<32x512xf32, #tpu.memory_space<vmem>>, vector<16xf32>,
        %parallel_loop3A_553 = arith.constant 16 : i32
        %parallel_loop3A_554 = arith.muli %parallel_loop3A_290, %parallel_loop3A_553 : i32
        %parallel_loop3A_555 = arith.constant 27 : i32
        %parallel_loop3A_556 = arith.index_cast %parallel_loop3A_555 : i32 to index
        %parallel_loop3A_557 = arith.index_cast %parallel_loop3A_554 : i32 to index
        %parallel_loop3A_558 = tpu.vector_load %arg9[%parallel_loop3A_556, %parallel_loop3A_557] {strides = array<i32>} : memref<32x512xf32, #tpu.memory_space<vmem>>, vector<16xf32>,
        tpu.vector_store %arg9[%parallel_loop3A_556, %parallel_loop3A_557], %parallel_loop3A_378 {strides = array<i32>} : memref<32x512xf32, #tpu.memory_space<vmem>>, vector<16xf32>,
        %parallel_loop3A_559 = arith.constant 16 : i32
        %parallel_loop3A_560 = arith.muli %parallel_loop3A_290, %parallel_loop3A_559 : i32
        %parallel_loop3A_561 = arith.constant 28 : i32
        %parallel_loop3A_562 = arith.index_cast %parallel_loop3A_561 : i32 to index
        %parallel_loop3A_563 = arith.index_cast %parallel_loop3A_560 : i32 to index
        %parallel_loop3A_564 = tpu.vector_load %arg9[%parallel_loop3A_562, %parallel_loop3A_563] {strides = array<i32>} : memref<32x512xf32, #tpu.memory_space<vmem>>, vector<16xf32>,
        tpu.vector_store %arg9[%parallel_loop3A_562, %parallel_loop3A_563], %parallel_loop3A_381 {strides = array<i32>} : memref<32x512xf32, #tpu.memory_space<vmem>>, vector<16xf32>,
        %parallel_loop3A_565 = arith.constant 16 : i32
        %parallel_loop3A_566 = arith.muli %parallel_loop3A_290, %parallel_loop3A_565 : i32
        %parallel_loop3A_567 = arith.constant 29 : i32
        %parallel_loop3A_568 = arith.index_cast %parallel_loop3A_567 : i32 to index
        %parallel_loop3A_569 = arith.index_cast %parallel_loop3A_566 : i32 to index
        %parallel_loop3A_570 = tpu.vector_load %arg9[%parallel_loop3A_568, %parallel_loop3A_569] {strides = array<i32>} : memref<32x512xf32, #tpu.memory_space<vmem>>, vector<16xf32>,
        tpu.vector_store %arg9[%parallel_loop3A_568, %parallel_loop3A_569], %parallel_loop3A_384 {strides = array<i32>} : memref<32x512xf32, #tpu.memory_space<vmem>>, vector<16xf32>,
        %parallel_loop3A_571 = arith.constant 16 : i32
        %parallel_loop3A_572 = arith.muli %parallel_loop3A_290, %parallel_loop3A_571 : i32
        %parallel_loop3A_573 = arith.constant 30 : i32
        %parallel_loop3A_574 = arith.index_cast %parallel_loop3A_573 : i32 to index
        %parallel_loop3A_575 = arith.index_cast %parallel_loop3A_572 : i32 to index
        %parallel_loop3A_576 = tpu.vector_load %arg9[%parallel_loop3A_574, %parallel_loop3A_575] {strides = array<i32>} : memref<32x512xf32, #tpu.memory_space<vmem>>, vector<16xf32>,
        tpu.vector_store %arg9[%parallel_loop3A_574, %parallel_loop3A_575], %parallel_loop3A_387 {strides = array<i32>} : memref<32x512xf32, #tpu.memory_space<vmem>>, vector<16xf32>,
        %parallel_loop3A_577 = arith.constant 16 : i32
        %parallel_loop3A_578 = arith.muli %parallel_loop3A_290, %parallel_loop3A_577 : i32
        %parallel_loop3A_579 = arith.constant 31 : i32
        %parallel_loop3A_580 = arith.index_cast %parallel_loop3A_579 : i32 to index
        %parallel_loop3A_581 = arith.index_cast %parallel_loop3A_578 : i32 to index
        %parallel_loop3A_582 = tpu.vector_load %arg9[%parallel_loop3A_580, %parallel_loop3A_581] {strides = array<i32>} : memref<32x512xf32, #tpu.memory_space<vmem>>, vector<16xf32>,
        tpu.vector_store %arg9[%parallel_loop3A_580, %parallel_loop3A_581], %parallel_loop3A_390 {strides = array<i32>} : memref<32x512xf32, #tpu.memory_space<vmem>>, vector<16xf32>,
      } {sc.loop_unroll_factor = 2 : i64, sc.parallel_access}
      %mul3A_166 = arith.constant 50 : i32
      %mul3A_167 = arith.muli %add3A, %mul3A_166 : i32
      %add3A_168 = arith.addi %mul3A_167, %add3A_151 : i32
      %jit3A_169 = arith.constant 32 : i32
      %div3A_170 = arith.divsi %add3A_168, %jit3A_169 : i32
      %sign3A_171 = arith.constant 0 : i32
      %sign3A_172 = arith.cmpi sgt, %add3A_168, %sign3A_171 : i32
      %sign3A_173 = arith.extui %sign3A_172 : i1 to i32
      %sign3A_174 = arith.constant 0 : i32
      %sign3A_175 = arith.cmpi slt, %add3A_168, %sign3A_174 : i32
      %sign3A_176 = arith.extui %sign3A_175 : i1 to i32
      %sign3A_177 = arith.subi %sign3A_173, %sign3A_176 : i32
      %sign3A_178 = arith.constant 0 : i32
      %sign3A_179 = arith.cmpi sgt, %jit3A_169, %sign3A_178 : i32
      %sign3A_180 = arith.extui %sign3A_179 : i1 to i32
      %sign3A_181 = arith.constant 0 : i32
      %sign3A_182 = arith.cmpi slt, %jit3A_169, %sign3A_181 : i32
      %sign3A_183 = arith.extui %sign3A_182 : i1 to i32
      %sign3A_184 = arith.subi %sign3A_180, %sign3A_183 : i32
      %ne3A_185 = arith.cmpi ne, %sign3A_177, %sign3A_184 : i32
      %rem3A_186 = arith.remsi %add3A_168, %jit3A_169 : i32
      %ne3A_187 = arith.constant 0 : i32
      %ne3A_188 = arith.cmpi ne, %rem3A_186, %ne3A_187 : i32
      %and3A_189 = arith.andi %ne3A_185, %ne3A_188 : i1
      %sub3A_190 = arith.constant 1 : i32
      %sub3A_191 = arith.subi %div3A_170, %sub3A_190 : i32
      %select_n3A_192 = arith.select %and3A_189, %sub3A_191, %div3A_170 : i32
      %jit3A_193 = arith.constant 32 : i32
      %eq3A_194 = arith.constant 0 : i32
      %eq3A_195 = arith.cmpi eq, %jit3A_193, %eq3A_194 : i32
      %jit3A_196 = arith.constant 1 : i32
      %select_n3A_197 = arith.select %eq3A_195, %jit3A_196, %jit3A_193 : i32
      %rem3A_198 = arith.remsi %add3A_168, %select_n3A_197 : i32
      %ne3A_199 = arith.constant 0 : i32
      %ne3A_200 = arith.cmpi ne, %rem3A_198, %ne3A_199 : i32
      %lt3A_201 = arith.constant 0 : i32
      %lt3A_202 = arith.cmpi slt, %rem3A_198, %lt3A_201 : i32
      %lt3A_203 = arith.constant 0 : i32
      %lt3A_204 = arith.cmpi slt, %select_n3A_197, %lt3A_203 : i32
      %ne3A_205 = arith.xori %lt3A_202, %lt3A_204 : i1
      %and3A_206 = arith.andi %ne3A_205, %ne3A_200 : i1
      %add3A_207 = arith.addi %rem3A_198, %select_n3A_197 : i32
      %select_n3A_208 = arith.select %and3A_206, %add3A_207, %rem3A_198 : i32
      %mul3A_209 = arith.constant 512 : i32
      %mul3A_210 = arith.muli %select_n3A_208, %mul3A_209 : i32
      %dma_start3A_211 = arith.constant 0 : i32
      %dma_start3A_212 = tpu.memref_slice %arg4[%select_n3A_192, %dma_start3A_211, %mul3A_210] : memref<50x32x16384xf32, #tpu.memory_space<hbm>> -> memref<1x32x512xf32, #tpu.memory_space<hbm>>
      %dma_start3A_213 = tpu.memref_squeeze %dma_start3A_212 : memref<1x32x512xf32, #tpu.memory_space<hbm>> -> memref<32x512xf32, #tpu.memory_space<hbm>>
      %dma_start3A_214 = arith.constant 0 : i32
      %dma_start3A_215 = tpu.memref_slice %arg4[%select_n3A_192, %dma_start3A_214, %mul3A_210] : memref<50x32x16384xf32, #tpu.memory_space<hbm>> -> memref<1x32x512xf32, #tpu.memory_space<hbm>>
      %dma_start3A_216 = tpu.memref_squeeze %dma_start3A_215 : memref<1x32x512xf32, #tpu.memory_space<hbm>> -> memref<32x512xf32, #tpu.memory_space<hbm>>
      tpu.enqueue_dma source(%arg9 : memref<32x512xf32, #tpu.memory_space<vmem>>) target(%dma_start3A_216 : memref<32x512xf32, #tpu.memory_space<hbm>>) target_semaphore(%arg13 : memref<!tpu.dma_semaphore, #tpu.memory_space<semaphore_mem>>)
      %mul3A_217 = arith.constant 2 : i32
      %mul3A_218 = arith.muli %mul3A_217, %scan3A_147 : i32
      %add3A_219 = arith.constant 1 : i32
      %add3A_220 = arith.addi %mul3A_218, %add3A_219 : i32
      %add3A_221 = arith.constant 1 : i32
      %add3A_222 = arith.addi %add3A_220, %add3A_221 : i32
      %dma_wait3A_223 = arith.constant 0 : i32
      %dma_wait3A_224 = arith.constant 0 : i32
      %dma_wait3A_225 = tpu.memref_slice %arg3[%dma_wait3A_223, %dma_wait3A_224] : memref<1000000x32xf32, #tpu.memory_space<hbm>> -> memref<1000000x32xf32, #tpu.memory_space<hbm>>
      tpu.wait_indirect_dma semaphore(%arg12 : memref<!tpu.dma_semaphore, #tpu.memory_space<semaphore_mem>>) src(%dma_wait3A_225 : memref<1000000x32xf32, #tpu.memory_space<hbm>>) dst(%arg8 : memref<512x32xf32, #tpu.memory_space<vmem>>)
      %lt3A_226 = arith.constant 50 : i32
      %lt3A_227 = arith.cmpi slt, %add3A_222, %lt3A_226 : i32
      %convert_element_type3A_228 = arith.extui %lt3A_227 : i1 to i32
      %cond3A_229 = arith.constant 0 : i32
      %cond3A_230 = arith.cmpi ne, %convert_element_type3A_228, %cond3A_229 : i32
      scf.if %cond3A_230 {
        %mul3A_290 = arith.constant 50 : i32
        %mul3A_291 = arith.muli %add3A, %mul3A_290 : i32
        %add3A_292 = arith.addi %mul3A_291, %add3A_222 : i32
        %jit3A_293 = arith.constant 32 : i32
        %div3A_294 = arith.divsi %add3A_292, %jit3A_293 : i32
        %sign3A_295 = arith.constant 0 : i32
        %sign3A_296 = arith.cmpi sgt, %add3A_292, %sign3A_295 : i32
        %sign3A_297 = arith.extui %sign3A_296 : i1 to i32
        %sign3A_298 = arith.constant 0 : i32
        %sign3A_299 = arith.cmpi slt, %add3A_292, %sign3A_298 : i32
        %sign3A_300 = arith.extui %sign3A_299 : i1 to i32
        %sign3A_301 = arith.subi %sign3A_297, %sign3A_300 : i32
        %sign3A_302 = arith.constant 0 : i32
        %sign3A_303 = arith.cmpi sgt, %jit3A_293, %sign3A_302 : i32
        %sign3A_304 = arith.extui %sign3A_303 : i1 to i32
        %sign3A_305 = arith.constant 0 : i32
        %sign3A_306 = arith.cmpi slt, %jit3A_293, %sign3A_305 : i32
        %sign3A_307 = arith.extui %sign3A_306 : i1 to i32
        %sign3A_308 = arith.subi %sign3A_304, %sign3A_307 : i32
        %ne3A_309 = arith.cmpi ne, %sign3A_301, %sign3A_308 : i32
        %rem3A_310 = arith.remsi %add3A_292, %jit3A_293 : i32
        %ne3A_311 = arith.constant 0 : i32
        %ne3A_312 = arith.cmpi ne, %rem3A_310, %ne3A_311 : i32
        %and3A_313 = arith.andi %ne3A_309, %ne3A_312 : i1
        %sub3A_314 = arith.constant 1 : i32
        %sub3A_315 = arith.subi %div3A_294, %sub3A_314 : i32
        %select_n3A_316 = arith.select %and3A_313, %sub3A_315, %div3A_294 : i32
        %jit3A_317 = arith.constant 32 : i32
        %eq3A_318 = arith.constant 0 : i32
        %eq3A_319 = arith.cmpi eq, %jit3A_317, %eq3A_318 : i32
        %jit3A_320 = arith.constant 1 : i32
        %select_n3A_321 = arith.select %eq3A_319, %jit3A_320, %jit3A_317 : i32
        %rem3A_322 = arith.remsi %add3A_292, %select_n3A_321 : i32
        %ne3A_323 = arith.constant 0 : i32
        %ne3A_324 = arith.cmpi ne, %rem3A_322, %ne3A_323 : i32
        %lt3A_325 = arith.constant 0 : i32
        %lt3A_326 = arith.cmpi slt, %rem3A_322, %lt3A_325 : i32
        %lt3A_327 = arith.constant 0 : i32
        %lt3A_328 = arith.cmpi slt, %select_n3A_321, %lt3A_327 : i32
        %ne3A_329 = arith.xori %lt3A_326, %lt3A_328 : i1
        %and3A_330 = arith.andi %ne3A_329, %ne3A_324 : i1
        %add3A_331 = arith.addi %rem3A_322, %select_n3A_321 : i32
        %select_n3A_332 = arith.select %and3A_330, %add3A_331, %rem3A_322 : i32
        %mul3A_333 = arith.constant 512 : i32
        %mul3A_334 = arith.muli %select_n3A_332, %mul3A_333 : i32
        "tpu.region"() ({
          %run_scoped3A = tpu.sem_alloc : memref<!tpu.dma_semaphore, #tpu.memory_space<semaphore_mem>>
          %dma_start3A_338 = tpu.memref_slice %arg2[%select_n3A_316, %mul3A_334] : memref<50x16384xi32, #tpu.memory_space<hbm>> -> memref<1x512xi32, #tpu.memory_space<hbm>>
          %dma_start3A_339 = tpu.memref_squeeze %dma_start3A_338 : memref<1x512xi32, #tpu.memory_space<hbm>> -> memref<512xi32, #tpu.memory_space<hbm>>
          %dma_start3A_340 = tpu.memref_slice %arg2[%select_n3A_316, %mul3A_334] : memref<50x16384xi32, #tpu.memory_space<hbm>> -> memref<1x512xi32, #tpu.memory_space<hbm>>
          %dma_start3A_341 = tpu.memref_squeeze %dma_start3A_340 : memref<1x512xi32, #tpu.memory_space<hbm>> -> memref<512xi32, #tpu.memory_space<hbm>>
          tpu.enqueue_dma source(%dma_start3A_341 : memref<512xi32, #tpu.memory_space<hbm>>) target(%arg5 : memref<512xi32, #tpu.memory_space<vmem>>) target_semaphore(%run_scoped3A : memref<!tpu.dma_semaphore, #tpu.memory_space<semaphore_mem>>)
          %dma_wait3A_342 = tpu.memref_slice %arg2[%select_n3A_316, %mul3A_334] : memref<50x16384xi32, #tpu.memory_space<hbm>> -> memref<1x512xi32, #tpu.memory_space<hbm>>
          %dma_wait3A_343 = tpu.memref_squeeze %dma_wait3A_342 : memref<1x512xi32, #tpu.memory_space<hbm>> -> memref<512xi32, #tpu.memory_space<hbm>>
          %dma_wait3A_344 = tpu.memref_slice %arg2[%select_n3A_316, %mul3A_334] : memref<50x16384xi32, #tpu.memory_space<hbm>> -> memref<1x512xi32, #tpu.memory_space<hbm>>
          %dma_wait3A_345 = tpu.memref_squeeze %dma_wait3A_344 : memref<1x512xi32, #tpu.memory_space<hbm>> -> memref<512xi32, #tpu.memory_space<hbm>>
          tpu.wait_dma2 semaphore(%run_scoped3A : memref<!tpu.dma_semaphore, #tpu.memory_space<semaphore_mem>>) src(%dma_wait3A_345 : memref<512xi32, #tpu.memory_space<hbm>>) dst(%arg5 : memref<512xi32, #tpu.memory_space<vmem>>)
          tpu.yield
        }) : () -> ()
        %dma_start3A_335 = arith.constant 0 : i32
        %dma_start3A_336 = arith.constant 0 : i32
        %dma_start3A_337 = tpu.memref_slice %arg3[%dma_start3A_335, %dma_start3A_336] : memref<1000000x32xf32, #tpu.memory_space<hbm>> -> memref<1000000x32xf32, #tpu.memory_space<hbm>>
        tpu.enqueue_indirect_dma source(%dma_start3A_337 : memref<1000000x32xf32, #tpu.memory_space<hbm>>) target(%arg7 : memref<512x32xf32, #tpu.memory_space<vmem>>) offsets(%arg5 : memref<512xi32, #tpu.memory_space<vmem>>) semaphore(%arg11 : memref<!tpu.dma_semaphore, #tpu.memory_space<semaphore_mem>>)
      } else {
      }
      %ge3A_231 = arith.constant 2 : i32
      %ge3A_232 = arith.cmpi sge, %add3A_220, %ge3A_231 : i32
      %convert_element_type3A_233 = arith.extui %ge3A_232 : i1 to i32
      %cond3A_234 = arith.constant 0 : i32
      %cond3A_235 = arith.cmpi ne, %convert_element_type3A_233, %cond3A_234 : i32
      scf.if %cond3A_235 {
        %sub3A_290 = arith.constant 2 : i32
        %sub3A_291 = arith.subi %add3A_220, %sub3A_290 : i32
        %mul3A_292 = arith.constant 50 : i32
        %mul3A_293 = arith.muli %add3A, %mul3A_292 : i32
        %add3A_294 = arith.addi %mul3A_293, %sub3A_291 : i32
        %jit3A_295 = arith.constant 32 : i32
        %div3A_296 = arith.divsi %add3A_294, %jit3A_295 : i32
        %sign3A_297 = arith.constant 0 : i32
        %sign3A_298 = arith.cmpi sgt, %add3A_294, %sign3A_297 : i32
        %sign3A_299 = arith.extui %sign3A_298 : i1 to i32
        %sign3A_300 = arith.constant 0 : i32
        %sign3A_301 = arith.cmpi slt, %add3A_294, %sign3A_300 : i32
        %sign3A_302 = arith.extui %sign3A_301 : i1 to i32
        %sign3A_303 = arith.subi %sign3A_299, %sign3A_302 : i32
        %sign3A_304 = arith.constant 0 : i32
        %sign3A_305 = arith.cmpi sgt, %jit3A_295, %sign3A_304 : i32
        %sign3A_306 = arith.extui %sign3A_305 : i1 to i32
        %sign3A_307 = arith.constant 0 : i32
        %sign3A_308 = arith.cmpi slt, %jit3A_295, %sign3A_307 : i32
        %sign3A_309 = arith.extui %sign3A_308 : i1 to i32
        %sign3A_310 = arith.subi %sign3A_306, %sign3A_309 : i32
        %ne3A_311 = arith.cmpi ne, %sign3A_303, %sign3A_310 : i32
        %rem3A_312 = arith.remsi %add3A_294, %jit3A_295 : i32
        %ne3A_313 = arith.constant 0 : i32
        %ne3A_314 = arith.cmpi ne, %rem3A_312, %ne3A_313 : i32
        %and3A_315 = arith.andi %ne3A_311, %ne3A_314 : i1
        %sub3A_316 = arith.constant 1 : i32
        %sub3A_317 = arith.subi %div3A_296, %sub3A_316 : i32
        %select_n3A_318 = arith.select %and3A_315, %sub3A_317, %div3A_296 : i32
        %jit3A_319 = arith.constant 32 : i32
        %eq3A_320 = arith.constant 0 : i32
        %eq3A_321 = arith.cmpi eq, %jit3A_319, %eq3A_320 : i32
        %jit3A_322 = arith.constant 1 : i32
        %select_n3A_323 = arith.select %eq3A_321, %jit3A_322, %jit3A_319 : i32
        %rem3A_324 = arith.remsi %add3A_294, %select_n3A_323 : i32
        %ne3A_325 = arith.constant 0 : i32
        %ne3A_326 = arith.cmpi ne, %rem3A_324, %ne3A_325 : i32
        %lt3A_327 = arith.constant 0 : i32
        %lt3A_328 = arith.cmpi slt, %rem3A_324, %lt3A_327 : i32
        %lt3A_329 = arith.constant 0 : i32
        %lt3A_330 = arith.cmpi slt, %select_n3A_323, %lt3A_329 : i32
        %ne3A_331 = arith.xori %lt3A_328, %lt3A_330 : i1
        %and3A_332 = arith.andi %ne3A_331, %ne3A_326 : i1
        %add3A_333 = arith.addi %rem3A_324, %select_n3A_323 : i32
        %select_n3A_334 = arith.select %and3A_332, %add3A_333, %rem3A_324 : i32
        %mul3A_335 = arith.constant 512 : i32
        %mul3A_336 = arith.muli %select_n3A_334, %mul3A_335 : i32
        %dma_wait3A_337 = arith.constant 0 : i32
        %dma_wait3A_338 = tpu.memref_slice %arg4[%select_n3A_318, %dma_wait3A_337, %mul3A_336] : memref<50x32x16384xf32, #tpu.memory_space<hbm>> -> memref<1x32x512xf32, #tpu.memory_space<hbm>>
        %dma_wait3A_339 = tpu.memref_squeeze %dma_wait3A_338 : memref<1x32x512xf32, #tpu.memory_space<hbm>> -> memref<32x512xf32, #tpu.memory_space<hbm>>
        %dma_wait3A_340 = arith.constant 0 : i32
        %dma_wait3A_341 = tpu.memref_slice %arg4[%select_n3A_318, %dma_wait3A_340, %mul3A_336] : memref<50x32x16384xf32, #tpu.memory_space<hbm>> -> memref<1x32x512xf32, #tpu.memory_space<hbm>>
        %dma_wait3A_342 = tpu.memref_squeeze %dma_wait3A_341 : memref<1x32x512xf32, #tpu.memory_space<hbm>> -> memref<32x512xf32, #tpu.memory_space<hbm>>
        tpu.wait_dma2 semaphore(%arg14 : memref<!tpu.dma_semaphore, #tpu.memory_space<semaphore_mem>>) src(%arg10 : memref<32x512xf32, #tpu.memory_space<vmem>>) dst(%dma_wait3A_342 : memref<32x512xf32, #tpu.memory_space<hbm>>)
      } else {
      }
      %parallel_loop3A_236 = arith.constant 0 : i32
      %parallel_loop3A_237 = arith.constant 32 : i32
      %parallel_loop3A_238 = arith.constant 1 : i32
      scf.for %parallel_loop3A_290 = %parallel_loop3A_236 to %parallel_loop3A_237 step %parallel_loop3A_238  : i32 {
        %parallel_loop3A_291 = arith.constant 16 : i32
        %parallel_loop3A_292 = arith.muli %parallel_loop3A_290, %parallel_loop3A_291 : i32
        %parallel_loop3A_293 = vector.broadcast %parallel_loop3A_292 : i32 to vector<16xi32>
        %parallel_loop3A_294 = arith.addi %iota3A, %parallel_loop3A_293 : vector<16xi32>
        %parallel_loop3A_295 = arith.constant 0 : i32
        %parallel_loop3A_296 = vector.broadcast %parallel_loop3A_295 : i32 to vector<16xi32>
        %parallel_loop3A_297 = tpu.vector_load_idx %arg8[%parallel_loop3A_294, %parallel_loop3A_296] : memref<512x32xf32, #tpu.memory_space<vmem>>[vector<16xi32>, vector<16xi32>], vector<16xf32>,
        %parallel_loop3A_298 = arith.constant 1 : i32
        %parallel_loop3A_299 = vector.broadcast %parallel_loop3A_298 : i32 to vector<16xi32>
        %parallel_loop3A_300 = tpu.vector_load_idx %arg8[%parallel_loop3A_294, %parallel_loop3A_299] : memref<512x32xf32, #tpu.memory_space<vmem>>[vector<16xi32>, vector<16xi32>], vector<16xf32>,
        %parallel_loop3A_301 = arith.constant 2 : i32
        %parallel_loop3A_302 = vector.broadcast %parallel_loop3A_301 : i32 to vector<16xi32>
        %parallel_loop3A_303 = tpu.vector_load_idx %arg8[%parallel_loop3A_294, %parallel_loop3A_302] : memref<512x32xf32, #tpu.memory_space<vmem>>[vector<16xi32>, vector<16xi32>], vector<16xf32>,
        %parallel_loop3A_304 = arith.constant 3 : i32
        %parallel_loop3A_305 = vector.broadcast %parallel_loop3A_304 : i32 to vector<16xi32>
        %parallel_loop3A_306 = tpu.vector_load_idx %arg8[%parallel_loop3A_294, %parallel_loop3A_305] : memref<512x32xf32, #tpu.memory_space<vmem>>[vector<16xi32>, vector<16xi32>], vector<16xf32>,
        %parallel_loop3A_307 = arith.constant 4 : i32
        %parallel_loop3A_308 = vector.broadcast %parallel_loop3A_307 : i32 to vector<16xi32>
        %parallel_loop3A_309 = tpu.vector_load_idx %arg8[%parallel_loop3A_294, %parallel_loop3A_308] : memref<512x32xf32, #tpu.memory_space<vmem>>[vector<16xi32>, vector<16xi32>], vector<16xf32>,
        %parallel_loop3A_310 = arith.constant 5 : i32
        %parallel_loop3A_311 = vector.broadcast %parallel_loop3A_310 : i32 to vector<16xi32>
        %parallel_loop3A_312 = tpu.vector_load_idx %arg8[%parallel_loop3A_294, %parallel_loop3A_311] : memref<512x32xf32, #tpu.memory_space<vmem>>[vector<16xi32>, vector<16xi32>], vector<16xf32>,
        %parallel_loop3A_313 = arith.constant 6 : i32
        %parallel_loop3A_314 = vector.broadcast %parallel_loop3A_313 : i32 to vector<16xi32>
        %parallel_loop3A_315 = tpu.vector_load_idx %arg8[%parallel_loop3A_294, %parallel_loop3A_314] : memref<512x32xf32, #tpu.memory_space<vmem>>[vector<16xi32>, vector<16xi32>], vector<16xf32>,
        %parallel_loop3A_316 = arith.constant 7 : i32
        %parallel_loop3A_317 = vector.broadcast %parallel_loop3A_316 : i32 to vector<16xi32>
        %parallel_loop3A_318 = tpu.vector_load_idx %arg8[%parallel_loop3A_294, %parallel_loop3A_317] : memref<512x32xf32, #tpu.memory_space<vmem>>[vector<16xi32>, vector<16xi32>], vector<16xf32>,
        %parallel_loop3A_319 = arith.constant 8 : i32
        %parallel_loop3A_320 = vector.broadcast %parallel_loop3A_319 : i32 to vector<16xi32>
        %parallel_loop3A_321 = tpu.vector_load_idx %arg8[%parallel_loop3A_294, %parallel_loop3A_320] : memref<512x32xf32, #tpu.memory_space<vmem>>[vector<16xi32>, vector<16xi32>], vector<16xf32>,
        %parallel_loop3A_322 = arith.constant 9 : i32
        %parallel_loop3A_323 = vector.broadcast %parallel_loop3A_322 : i32 to vector<16xi32>
        %parallel_loop3A_324 = tpu.vector_load_idx %arg8[%parallel_loop3A_294, %parallel_loop3A_323] : memref<512x32xf32, #tpu.memory_space<vmem>>[vector<16xi32>, vector<16xi32>], vector<16xf32>,
        %parallel_loop3A_325 = arith.constant 10 : i32
        %parallel_loop3A_326 = vector.broadcast %parallel_loop3A_325 : i32 to vector<16xi32>
        %parallel_loop3A_327 = tpu.vector_load_idx %arg8[%parallel_loop3A_294, %parallel_loop3A_326] : memref<512x32xf32, #tpu.memory_space<vmem>>[vector<16xi32>, vector<16xi32>], vector<16xf32>,
        %parallel_loop3A_328 = arith.constant 11 : i32
        %parallel_loop3A_329 = vector.broadcast %parallel_loop3A_328 : i32 to vector<16xi32>
        %parallel_loop3A_330 = tpu.vector_load_idx %arg8[%parallel_loop3A_294, %parallel_loop3A_329] : memref<512x32xf32, #tpu.memory_space<vmem>>[vector<16xi32>, vector<16xi32>], vector<16xf32>,
        %parallel_loop3A_331 = arith.constant 12 : i32
        %parallel_loop3A_332 = vector.broadcast %parallel_loop3A_331 : i32 to vector<16xi32>
        %parallel_loop3A_333 = tpu.vector_load_idx %arg8[%parallel_loop3A_294, %parallel_loop3A_332] : memref<512x32xf32, #tpu.memory_space<vmem>>[vector<16xi32>, vector<16xi32>], vector<16xf32>,
        %parallel_loop3A_334 = arith.constant 13 : i32
        %parallel_loop3A_335 = vector.broadcast %parallel_loop3A_334 : i32 to vector<16xi32>
        %parallel_loop3A_336 = tpu.vector_load_idx %arg8[%parallel_loop3A_294, %parallel_loop3A_335] : memref<512x32xf32, #tpu.memory_space<vmem>>[vector<16xi32>, vector<16xi32>], vector<16xf32>,
        %parallel_loop3A_337 = arith.constant 14 : i32
        %parallel_loop3A_338 = vector.broadcast %parallel_loop3A_337 : i32 to vector<16xi32>
        %parallel_loop3A_339 = tpu.vector_load_idx %arg8[%parallel_loop3A_294, %parallel_loop3A_338] : memref<512x32xf32, #tpu.memory_space<vmem>>[vector<16xi32>, vector<16xi32>], vector<16xf32>,
        %parallel_loop3A_340 = arith.constant 15 : i32
        %parallel_loop3A_341 = vector.broadcast %parallel_loop3A_340 : i32 to vector<16xi32>
        %parallel_loop3A_342 = tpu.vector_load_idx %arg8[%parallel_loop3A_294, %parallel_loop3A_341] : memref<512x32xf32, #tpu.memory_space<vmem>>[vector<16xi32>, vector<16xi32>], vector<16xf32>,
        %parallel_loop3A_343 = arith.constant 16 : i32
        %parallel_loop3A_344 = vector.broadcast %parallel_loop3A_343 : i32 to vector<16xi32>
        %parallel_loop3A_345 = tpu.vector_load_idx %arg8[%parallel_loop3A_294, %parallel_loop3A_344] : memref<512x32xf32, #tpu.memory_space<vmem>>[vector<16xi32>, vector<16xi32>], vector<16xf32>,
        %parallel_loop3A_346 = arith.constant 17 : i32
        %parallel_loop3A_347 = vector.broadcast %parallel_loop3A_346 : i32 to vector<16xi32>
        %parallel_loop3A_348 = tpu.vector_load_idx %arg8[%parallel_loop3A_294, %parallel_loop3A_347] : memref<512x32xf32, #tpu.memory_space<vmem>>[vector<16xi32>, vector<16xi32>], vector<16xf32>,
        %parallel_loop3A_349 = arith.constant 18 : i32
        %parallel_loop3A_350 = vector.broadcast %parallel_loop3A_349 : i32 to vector<16xi32>
        %parallel_loop3A_351 = tpu.vector_load_idx %arg8[%parallel_loop3A_294, %parallel_loop3A_350] : memref<512x32xf32, #tpu.memory_space<vmem>>[vector<16xi32>, vector<16xi32>], vector<16xf32>,
        %parallel_loop3A_352 = arith.constant 19 : i32
        %parallel_loop3A_353 = vector.broadcast %parallel_loop3A_352 : i32 to vector<16xi32>
        %parallel_loop3A_354 = tpu.vector_load_idx %arg8[%parallel_loop3A_294, %parallel_loop3A_353] : memref<512x32xf32, #tpu.memory_space<vmem>>[vector<16xi32>, vector<16xi32>], vector<16xf32>,
        %parallel_loop3A_355 = arith.constant 20 : i32
        %parallel_loop3A_356 = vector.broadcast %parallel_loop3A_355 : i32 to vector<16xi32>
        %parallel_loop3A_357 = tpu.vector_load_idx %arg8[%parallel_loop3A_294, %parallel_loop3A_356] : memref<512x32xf32, #tpu.memory_space<vmem>>[vector<16xi32>, vector<16xi32>], vector<16xf32>,
        %parallel_loop3A_358 = arith.constant 21 : i32
        %parallel_loop3A_359 = vector.broadcast %parallel_loop3A_358 : i32 to vector<16xi32>
        %parallel_loop3A_360 = tpu.vector_load_idx %arg8[%parallel_loop3A_294, %parallel_loop3A_359] : memref<512x32xf32, #tpu.memory_space<vmem>>[vector<16xi32>, vector<16xi32>], vector<16xf32>,
        %parallel_loop3A_361 = arith.constant 22 : i32
        %parallel_loop3A_362 = vector.broadcast %parallel_loop3A_361 : i32 to vector<16xi32>
        %parallel_loop3A_363 = tpu.vector_load_idx %arg8[%parallel_loop3A_294, %parallel_loop3A_362] : memref<512x32xf32, #tpu.memory_space<vmem>>[vector<16xi32>, vector<16xi32>], vector<16xf32>,
        %parallel_loop3A_364 = arith.constant 23 : i32
        %parallel_loop3A_365 = vector.broadcast %parallel_loop3A_364 : i32 to vector<16xi32>
        %parallel_loop3A_366 = tpu.vector_load_idx %arg8[%parallel_loop3A_294, %parallel_loop3A_365] : memref<512x32xf32, #tpu.memory_space<vmem>>[vector<16xi32>, vector<16xi32>], vector<16xf32>,
        %parallel_loop3A_367 = arith.constant 24 : i32
        %parallel_loop3A_368 = vector.broadcast %parallel_loop3A_367 : i32 to vector<16xi32>
        %parallel_loop3A_369 = tpu.vector_load_idx %arg8[%parallel_loop3A_294, %parallel_loop3A_368] : memref<512x32xf32, #tpu.memory_space<vmem>>[vector<16xi32>, vector<16xi32>], vector<16xf32>,
        %parallel_loop3A_370 = arith.constant 25 : i32
        %parallel_loop3A_371 = vector.broadcast %parallel_loop3A_370 : i32 to vector<16xi32>
        %parallel_loop3A_372 = tpu.vector_load_idx %arg8[%parallel_loop3A_294, %parallel_loop3A_371] : memref<512x32xf32, #tpu.memory_space<vmem>>[vector<16xi32>, vector<16xi32>], vector<16xf32>,
        %parallel_loop3A_373 = arith.constant 26 : i32
        %parallel_loop3A_374 = vector.broadcast %parallel_loop3A_373 : i32 to vector<16xi32>
        %parallel_loop3A_375 = tpu.vector_load_idx %arg8[%parallel_loop3A_294, %parallel_loop3A_374] : memref<512x32xf32, #tpu.memory_space<vmem>>[vector<16xi32>, vector<16xi32>], vector<16xf32>,
        %parallel_loop3A_376 = arith.constant 27 : i32
        %parallel_loop3A_377 = vector.broadcast %parallel_loop3A_376 : i32 to vector<16xi32>
        %parallel_loop3A_378 = tpu.vector_load_idx %arg8[%parallel_loop3A_294, %parallel_loop3A_377] : memref<512x32xf32, #tpu.memory_space<vmem>>[vector<16xi32>, vector<16xi32>], vector<16xf32>,
        %parallel_loop3A_379 = arith.constant 28 : i32
        %parallel_loop3A_380 = vector.broadcast %parallel_loop3A_379 : i32 to vector<16xi32>
        %parallel_loop3A_381 = tpu.vector_load_idx %arg8[%parallel_loop3A_294, %parallel_loop3A_380] : memref<512x32xf32, #tpu.memory_space<vmem>>[vector<16xi32>, vector<16xi32>], vector<16xf32>,
        %parallel_loop3A_382 = arith.constant 29 : i32
        %parallel_loop3A_383 = vector.broadcast %parallel_loop3A_382 : i32 to vector<16xi32>
        %parallel_loop3A_384 = tpu.vector_load_idx %arg8[%parallel_loop3A_294, %parallel_loop3A_383] : memref<512x32xf32, #tpu.memory_space<vmem>>[vector<16xi32>, vector<16xi32>], vector<16xf32>,
        %parallel_loop3A_385 = arith.constant 30 : i32
        %parallel_loop3A_386 = vector.broadcast %parallel_loop3A_385 : i32 to vector<16xi32>
        %parallel_loop3A_387 = tpu.vector_load_idx %arg8[%parallel_loop3A_294, %parallel_loop3A_386] : memref<512x32xf32, #tpu.memory_space<vmem>>[vector<16xi32>, vector<16xi32>], vector<16xf32>,
        %parallel_loop3A_388 = arith.constant 31 : i32
        %parallel_loop3A_389 = vector.broadcast %parallel_loop3A_388 : i32 to vector<16xi32>
        %parallel_loop3A_390 = tpu.vector_load_idx %arg8[%parallel_loop3A_294, %parallel_loop3A_389] : memref<512x32xf32, #tpu.memory_space<vmem>>[vector<16xi32>, vector<16xi32>], vector<16xf32>,
        %parallel_loop3A_391 = arith.constant 16 : i32
        %parallel_loop3A_392 = arith.muli %parallel_loop3A_290, %parallel_loop3A_391 : i32
        %parallel_loop3A_393 = arith.constant 0 : i32
        %parallel_loop3A_394 = arith.index_cast %parallel_loop3A_393 : i32 to index
        %parallel_loop3A_395 = arith.index_cast %parallel_loop3A_392 : i32 to index
        %parallel_loop3A_396 = tpu.vector_load %arg10[%parallel_loop3A_394, %parallel_loop3A_395] {strides = array<i32>} : memref<32x512xf32, #tpu.memory_space<vmem>>, vector<16xf32>,
        tpu.vector_store %arg10[%parallel_loop3A_394, %parallel_loop3A_395], %parallel_loop3A_297 {strides = array<i32>} : memref<32x512xf32, #tpu.memory_space<vmem>>, vector<16xf32>,
        %parallel_loop3A_397 = arith.constant 16 : i32
        %parallel_loop3A_398 = arith.muli %parallel_loop3A_290, %parallel_loop3A_397 : i32
        %parallel_loop3A_399 = arith.constant 1 : i32
        %parallel_loop3A_400 = arith.index_cast %parallel_loop3A_399 : i32 to index
        %parallel_loop3A_401 = arith.index_cast %parallel_loop3A_398 : i32 to index
        %parallel_loop3A_402 = tpu.vector_load %arg10[%parallel_loop3A_400, %parallel_loop3A_401] {strides = array<i32>} : memref<32x512xf32, #tpu.memory_space<vmem>>, vector<16xf32>,
        tpu.vector_store %arg10[%parallel_loop3A_400, %parallel_loop3A_401], %parallel_loop3A_300 {strides = array<i32>} : memref<32x512xf32, #tpu.memory_space<vmem>>, vector<16xf32>,
        %parallel_loop3A_403 = arith.constant 16 : i32
        %parallel_loop3A_404 = arith.muli %parallel_loop3A_290, %parallel_loop3A_403 : i32
        %parallel_loop3A_405 = arith.constant 2 : i32
        %parallel_loop3A_406 = arith.index_cast %parallel_loop3A_405 : i32 to index
        %parallel_loop3A_407 = arith.index_cast %parallel_loop3A_404 : i32 to index
        %parallel_loop3A_408 = tpu.vector_load %arg10[%parallel_loop3A_406, %parallel_loop3A_407] {strides = array<i32>} : memref<32x512xf32, #tpu.memory_space<vmem>>, vector<16xf32>,
        tpu.vector_store %arg10[%parallel_loop3A_406, %parallel_loop3A_407], %parallel_loop3A_303 {strides = array<i32>} : memref<32x512xf32, #tpu.memory_space<vmem>>, vector<16xf32>,
        %parallel_loop3A_409 = arith.constant 16 : i32
        %parallel_loop3A_410 = arith.muli %parallel_loop3A_290, %parallel_loop3A_409 : i32
        %parallel_loop3A_411 = arith.constant 3 : i32
        %parallel_loop3A_412 = arith.index_cast %parallel_loop3A_411 : i32 to index
        %parallel_loop3A_413 = arith.index_cast %parallel_loop3A_410 : i32 to index
        %parallel_loop3A_414 = tpu.vector_load %arg10[%parallel_loop3A_412, %parallel_loop3A_413] {strides = array<i32>} : memref<32x512xf32, #tpu.memory_space<vmem>>, vector<16xf32>,
        tpu.vector_store %arg10[%parallel_loop3A_412, %parallel_loop3A_413], %parallel_loop3A_306 {strides = array<i32>} : memref<32x512xf32, #tpu.memory_space<vmem>>, vector<16xf32>,
        %parallel_loop3A_415 = arith.constant 16 : i32
        %parallel_loop3A_416 = arith.muli %parallel_loop3A_290, %parallel_loop3A_415 : i32
        %parallel_loop3A_417 = arith.constant 4 : i32
        %parallel_loop3A_418 = arith.index_cast %parallel_loop3A_417 : i32 to index
        %parallel_loop3A_419 = arith.index_cast %parallel_loop3A_416 : i32 to index
        %parallel_loop3A_420 = tpu.vector_load %arg10[%parallel_loop3A_418, %parallel_loop3A_419] {strides = array<i32>} : memref<32x512xf32, #tpu.memory_space<vmem>>, vector<16xf32>,
        tpu.vector_store %arg10[%parallel_loop3A_418, %parallel_loop3A_419], %parallel_loop3A_309 {strides = array<i32>} : memref<32x512xf32, #tpu.memory_space<vmem>>, vector<16xf32>,
        %parallel_loop3A_421 = arith.constant 16 : i32
        %parallel_loop3A_422 = arith.muli %parallel_loop3A_290, %parallel_loop3A_421 : i32
        %parallel_loop3A_423 = arith.constant 5 : i32
        %parallel_loop3A_424 = arith.index_cast %parallel_loop3A_423 : i32 to index
        %parallel_loop3A_425 = arith.index_cast %parallel_loop3A_422 : i32 to index
        %parallel_loop3A_426 = tpu.vector_load %arg10[%parallel_loop3A_424, %parallel_loop3A_425] {strides = array<i32>} : memref<32x512xf32, #tpu.memory_space<vmem>>, vector<16xf32>,
        tpu.vector_store %arg10[%parallel_loop3A_424, %parallel_loop3A_425], %parallel_loop3A_312 {strides = array<i32>} : memref<32x512xf32, #tpu.memory_space<vmem>>, vector<16xf32>,
        %parallel_loop3A_427 = arith.constant 16 : i32
        %parallel_loop3A_428 = arith.muli %parallel_loop3A_290, %parallel_loop3A_427 : i32
        %parallel_loop3A_429 = arith.constant 6 : i32
        %parallel_loop3A_430 = arith.index_cast %parallel_loop3A_429 : i32 to index
        %parallel_loop3A_431 = arith.index_cast %parallel_loop3A_428 : i32 to index
        %parallel_loop3A_432 = tpu.vector_load %arg10[%parallel_loop3A_430, %parallel_loop3A_431] {strides = array<i32>} : memref<32x512xf32, #tpu.memory_space<vmem>>, vector<16xf32>,
        tpu.vector_store %arg10[%parallel_loop3A_430, %parallel_loop3A_431], %parallel_loop3A_315 {strides = array<i32>} : memref<32x512xf32, #tpu.memory_space<vmem>>, vector<16xf32>,
        %parallel_loop3A_433 = arith.constant 16 : i32
        %parallel_loop3A_434 = arith.muli %parallel_loop3A_290, %parallel_loop3A_433 : i32
        %parallel_loop3A_435 = arith.constant 7 : i32
        %parallel_loop3A_436 = arith.index_cast %parallel_loop3A_435 : i32 to index
        %parallel_loop3A_437 = arith.index_cast %parallel_loop3A_434 : i32 to index
        %parallel_loop3A_438 = tpu.vector_load %arg10[%parallel_loop3A_436, %parallel_loop3A_437] {strides = array<i32>} : memref<32x512xf32, #tpu.memory_space<vmem>>, vector<16xf32>,
        tpu.vector_store %arg10[%parallel_loop3A_436, %parallel_loop3A_437], %parallel_loop3A_318 {strides = array<i32>} : memref<32x512xf32, #tpu.memory_space<vmem>>, vector<16xf32>,
        %parallel_loop3A_439 = arith.constant 16 : i32
        %parallel_loop3A_440 = arith.muli %parallel_loop3A_290, %parallel_loop3A_439 : i32
        %parallel_loop3A_441 = arith.constant 8 : i32
        %parallel_loop3A_442 = arith.index_cast %parallel_loop3A_441 : i32 to index
        %parallel_loop3A_443 = arith.index_cast %parallel_loop3A_440 : i32 to index
        %parallel_loop3A_444 = tpu.vector_load %arg10[%parallel_loop3A_442, %parallel_loop3A_443] {strides = array<i32>} : memref<32x512xf32, #tpu.memory_space<vmem>>, vector<16xf32>,
        tpu.vector_store %arg10[%parallel_loop3A_442, %parallel_loop3A_443], %parallel_loop3A_321 {strides = array<i32>} : memref<32x512xf32, #tpu.memory_space<vmem>>, vector<16xf32>,
        %parallel_loop3A_445 = arith.constant 16 : i32
        %parallel_loop3A_446 = arith.muli %parallel_loop3A_290, %parallel_loop3A_445 : i32
        %parallel_loop3A_447 = arith.constant 9 : i32
        %parallel_loop3A_448 = arith.index_cast %parallel_loop3A_447 : i32 to index
        %parallel_loop3A_449 = arith.index_cast %parallel_loop3A_446 : i32 to index
        %parallel_loop3A_450 = tpu.vector_load %arg10[%parallel_loop3A_448, %parallel_loop3A_449] {strides = array<i32>} : memref<32x512xf32, #tpu.memory_space<vmem>>, vector<16xf32>,
        tpu.vector_store %arg10[%parallel_loop3A_448, %parallel_loop3A_449], %parallel_loop3A_324 {strides = array<i32>} : memref<32x512xf32, #tpu.memory_space<vmem>>, vector<16xf32>,
        %parallel_loop3A_451 = arith.constant 16 : i32
        %parallel_loop3A_452 = arith.muli %parallel_loop3A_290, %parallel_loop3A_451 : i32
        %parallel_loop3A_453 = arith.constant 10 : i32
        %parallel_loop3A_454 = arith.index_cast %parallel_loop3A_453 : i32 to index
        %parallel_loop3A_455 = arith.index_cast %parallel_loop3A_452 : i32 to index
        %parallel_loop3A_456 = tpu.vector_load %arg10[%parallel_loop3A_454, %parallel_loop3A_455] {strides = array<i32>} : memref<32x512xf32, #tpu.memory_space<vmem>>, vector<16xf32>,
        tpu.vector_store %arg10[%parallel_loop3A_454, %parallel_loop3A_455], %parallel_loop3A_327 {strides = array<i32>} : memref<32x512xf32, #tpu.memory_space<vmem>>, vector<16xf32>,
        %parallel_loop3A_457 = arith.constant 16 : i32
        %parallel_loop3A_458 = arith.muli %parallel_loop3A_290, %parallel_loop3A_457 : i32
        %parallel_loop3A_459 = arith.constant 11 : i32
        %parallel_loop3A_460 = arith.index_cast %parallel_loop3A_459 : i32 to index
        %parallel_loop3A_461 = arith.index_cast %parallel_loop3A_458 : i32 to index
        %parallel_loop3A_462 = tpu.vector_load %arg10[%parallel_loop3A_460, %parallel_loop3A_461] {strides = array<i32>} : memref<32x512xf32, #tpu.memory_space<vmem>>, vector<16xf32>,
        tpu.vector_store %arg10[%parallel_loop3A_460, %parallel_loop3A_461], %parallel_loop3A_330 {strides = array<i32>} : memref<32x512xf32, #tpu.memory_space<vmem>>, vector<16xf32>,
        %parallel_loop3A_463 = arith.constant 16 : i32
        %parallel_loop3A_464 = arith.muli %parallel_loop3A_290, %parallel_loop3A_463 : i32
        %parallel_loop3A_465 = arith.constant 12 : i32
        %parallel_loop3A_466 = arith.index_cast %parallel_loop3A_465 : i32 to index
        %parallel_loop3A_467 = arith.index_cast %parallel_loop3A_464 : i32 to index
        %parallel_loop3A_468 = tpu.vector_load %arg10[%parallel_loop3A_466, %parallel_loop3A_467] {strides = array<i32>} : memref<32x512xf32, #tpu.memory_space<vmem>>, vector<16xf32>,
        tpu.vector_store %arg10[%parallel_loop3A_466, %parallel_loop3A_467], %parallel_loop3A_333 {strides = array<i32>} : memref<32x512xf32, #tpu.memory_space<vmem>>, vector<16xf32>,
        %parallel_loop3A_469 = arith.constant 16 : i32
        %parallel_loop3A_470 = arith.muli %parallel_loop3A_290, %parallel_loop3A_469 : i32
        %parallel_loop3A_471 = arith.constant 13 : i32
        %parallel_loop3A_472 = arith.index_cast %parallel_loop3A_471 : i32 to index
        %parallel_loop3A_473 = arith.index_cast %parallel_loop3A_470 : i32 to index
        %parallel_loop3A_474 = tpu.vector_load %arg10[%parallel_loop3A_472, %parallel_loop3A_473] {strides = array<i32>} : memref<32x512xf32, #tpu.memory_space<vmem>>, vector<16xf32>,
        tpu.vector_store %arg10[%parallel_loop3A_472, %parallel_loop3A_473], %parallel_loop3A_336 {strides = array<i32>} : memref<32x512xf32, #tpu.memory_space<vmem>>, vector<16xf32>,
        %parallel_loop3A_475 = arith.constant 16 : i32
        %parallel_loop3A_476 = arith.muli %parallel_loop3A_290, %parallel_loop3A_475 : i32
        %parallel_loop3A_477 = arith.constant 14 : i32
        %parallel_loop3A_478 = arith.index_cast %parallel_loop3A_477 : i32 to index
        %parallel_loop3A_479 = arith.index_cast %parallel_loop3A_476 : i32 to index
        %parallel_loop3A_480 = tpu.vector_load %arg10[%parallel_loop3A_478, %parallel_loop3A_479] {strides = array<i32>} : memref<32x512xf32, #tpu.memory_space<vmem>>, vector<16xf32>,
        tpu.vector_store %arg10[%parallel_loop3A_478, %parallel_loop3A_479], %parallel_loop3A_339 {strides = array<i32>} : memref<32x512xf32, #tpu.memory_space<vmem>>, vector<16xf32>,
        %parallel_loop3A_481 = arith.constant 16 : i32
        %parallel_loop3A_482 = arith.muli %parallel_loop3A_290, %parallel_loop3A_481 : i32
        %parallel_loop3A_483 = arith.constant 15 : i32
        %parallel_loop3A_484 = arith.index_cast %parallel_loop3A_483 : i32 to index
        %parallel_loop3A_485 = arith.index_cast %parallel_loop3A_482 : i32 to index
        %parallel_loop3A_486 = tpu.vector_load %arg10[%parallel_loop3A_484, %parallel_loop3A_485] {strides = array<i32>} : memref<32x512xf32, #tpu.memory_space<vmem>>, vector<16xf32>,
        tpu.vector_store %arg10[%parallel_loop3A_484, %parallel_loop3A_485], %parallel_loop3A_342 {strides = array<i32>} : memref<32x512xf32, #tpu.memory_space<vmem>>, vector<16xf32>,
        %parallel_loop3A_487 = arith.constant 16 : i32
        %parallel_loop3A_488 = arith.muli %parallel_loop3A_290, %parallel_loop3A_487 : i32
        %parallel_loop3A_489 = arith.constant 16 : i32
        %parallel_loop3A_490 = arith.index_cast %parallel_loop3A_489 : i32 to index
        %parallel_loop3A_491 = arith.index_cast %parallel_loop3A_488 : i32 to index
        %parallel_loop3A_492 = tpu.vector_load %arg10[%parallel_loop3A_490, %parallel_loop3A_491] {strides = array<i32>} : memref<32x512xf32, #tpu.memory_space<vmem>>, vector<16xf32>,
        tpu.vector_store %arg10[%parallel_loop3A_490, %parallel_loop3A_491], %parallel_loop3A_345 {strides = array<i32>} : memref<32x512xf32, #tpu.memory_space<vmem>>, vector<16xf32>,
        %parallel_loop3A_493 = arith.constant 16 : i32
        %parallel_loop3A_494 = arith.muli %parallel_loop3A_290, %parallel_loop3A_493 : i32
        %parallel_loop3A_495 = arith.constant 17 : i32
        %parallel_loop3A_496 = arith.index_cast %parallel_loop3A_495 : i32 to index
        %parallel_loop3A_497 = arith.index_cast %parallel_loop3A_494 : i32 to index
        %parallel_loop3A_498 = tpu.vector_load %arg10[%parallel_loop3A_496, %parallel_loop3A_497] {strides = array<i32>} : memref<32x512xf32, #tpu.memory_space<vmem>>, vector<16xf32>,
        tpu.vector_store %arg10[%parallel_loop3A_496, %parallel_loop3A_497], %parallel_loop3A_348 {strides = array<i32>} : memref<32x512xf32, #tpu.memory_space<vmem>>, vector<16xf32>,
        %parallel_loop3A_499 = arith.constant 16 : i32
        %parallel_loop3A_500 = arith.muli %parallel_loop3A_290, %parallel_loop3A_499 : i32
        %parallel_loop3A_501 = arith.constant 18 : i32
        %parallel_loop3A_502 = arith.index_cast %parallel_loop3A_501 : i32 to index
        %parallel_loop3A_503 = arith.index_cast %parallel_loop3A_500 : i32 to index
        %parallel_loop3A_504 = tpu.vector_load %arg10[%parallel_loop3A_502, %parallel_loop3A_503] {strides = array<i32>} : memref<32x512xf32, #tpu.memory_space<vmem>>, vector<16xf32>,
        tpu.vector_store %arg10[%parallel_loop3A_502, %parallel_loop3A_503], %parallel_loop3A_351 {strides = array<i32>} : memref<32x512xf32, #tpu.memory_space<vmem>>, vector<16xf32>,
        %parallel_loop3A_505 = arith.constant 16 : i32
        %parallel_loop3A_506 = arith.muli %parallel_loop3A_290, %parallel_loop3A_505 : i32
        %parallel_loop3A_507 = arith.constant 19 : i32
        %parallel_loop3A_508 = arith.index_cast %parallel_loop3A_507 : i32 to index
        %parallel_loop3A_509 = arith.index_cast %parallel_loop3A_506 : i32 to index
        %parallel_loop3A_510 = tpu.vector_load %arg10[%parallel_loop3A_508, %parallel_loop3A_509] {strides = array<i32>} : memref<32x512xf32, #tpu.memory_space<vmem>>, vector<16xf32>,
        tpu.vector_store %arg10[%parallel_loop3A_508, %parallel_loop3A_509], %parallel_loop3A_354 {strides = array<i32>} : memref<32x512xf32, #tpu.memory_space<vmem>>, vector<16xf32>,
        %parallel_loop3A_511 = arith.constant 16 : i32
        %parallel_loop3A_512 = arith.muli %parallel_loop3A_290, %parallel_loop3A_511 : i32
        %parallel_loop3A_513 = arith.constant 20 : i32
        %parallel_loop3A_514 = arith.index_cast %parallel_loop3A_513 : i32 to index
        %parallel_loop3A_515 = arith.index_cast %parallel_loop3A_512 : i32 to index
        %parallel_loop3A_516 = tpu.vector_load %arg10[%parallel_loop3A_514, %parallel_loop3A_515] {strides = array<i32>} : memref<32x512xf32, #tpu.memory_space<vmem>>, vector<16xf32>,
        tpu.vector_store %arg10[%parallel_loop3A_514, %parallel_loop3A_515], %parallel_loop3A_357 {strides = array<i32>} : memref<32x512xf32, #tpu.memory_space<vmem>>, vector<16xf32>,
        %parallel_loop3A_517 = arith.constant 16 : i32
        %parallel_loop3A_518 = arith.muli %parallel_loop3A_290, %parallel_loop3A_517 : i32
        %parallel_loop3A_519 = arith.constant 21 : i32
        %parallel_loop3A_520 = arith.index_cast %parallel_loop3A_519 : i32 to index
        %parallel_loop3A_521 = arith.index_cast %parallel_loop3A_518 : i32 to index
        %parallel_loop3A_522 = tpu.vector_load %arg10[%parallel_loop3A_520, %parallel_loop3A_521] {strides = array<i32>} : memref<32x512xf32, #tpu.memory_space<vmem>>, vector<16xf32>,
        tpu.vector_store %arg10[%parallel_loop3A_520, %parallel_loop3A_521], %parallel_loop3A_360 {strides = array<i32>} : memref<32x512xf32, #tpu.memory_space<vmem>>, vector<16xf32>,
        %parallel_loop3A_523 = arith.constant 16 : i32
        %parallel_loop3A_524 = arith.muli %parallel_loop3A_290, %parallel_loop3A_523 : i32
        %parallel_loop3A_525 = arith.constant 22 : i32
        %parallel_loop3A_526 = arith.index_cast %parallel_loop3A_525 : i32 to index
        %parallel_loop3A_527 = arith.index_cast %parallel_loop3A_524 : i32 to index
        %parallel_loop3A_528 = tpu.vector_load %arg10[%parallel_loop3A_526, %parallel_loop3A_527] {strides = array<i32>} : memref<32x512xf32, #tpu.memory_space<vmem>>, vector<16xf32>,
        tpu.vector_store %arg10[%parallel_loop3A_526, %parallel_loop3A_527], %parallel_loop3A_363 {strides = array<i32>} : memref<32x512xf32, #tpu.memory_space<vmem>>, vector<16xf32>,
        %parallel_loop3A_529 = arith.constant 16 : i32
        %parallel_loop3A_530 = arith.muli %parallel_loop3A_290, %parallel_loop3A_529 : i32
        %parallel_loop3A_531 = arith.constant 23 : i32
        %parallel_loop3A_532 = arith.index_cast %parallel_loop3A_531 : i32 to index
        %parallel_loop3A_533 = arith.index_cast %parallel_loop3A_530 : i32 to index
        %parallel_loop3A_534 = tpu.vector_load %arg10[%parallel_loop3A_532, %parallel_loop3A_533] {strides = array<i32>} : memref<32x512xf32, #tpu.memory_space<vmem>>, vector<16xf32>,
        tpu.vector_store %arg10[%parallel_loop3A_532, %parallel_loop3A_533], %parallel_loop3A_366 {strides = array<i32>} : memref<32x512xf32, #tpu.memory_space<vmem>>, vector<16xf32>,
        %parallel_loop3A_535 = arith.constant 16 : i32
        %parallel_loop3A_536 = arith.muli %parallel_loop3A_290, %parallel_loop3A_535 : i32
        %parallel_loop3A_537 = arith.constant 24 : i32
        %parallel_loop3A_538 = arith.index_cast %parallel_loop3A_537 : i32 to index
        %parallel_loop3A_539 = arith.index_cast %parallel_loop3A_536 : i32 to index
        %parallel_loop3A_540 = tpu.vector_load %arg10[%parallel_loop3A_538, %parallel_loop3A_539] {strides = array<i32>} : memref<32x512xf32, #tpu.memory_space<vmem>>, vector<16xf32>,
        tpu.vector_store %arg10[%parallel_loop3A_538, %parallel_loop3A_539], %parallel_loop3A_369 {strides = array<i32>} : memref<32x512xf32, #tpu.memory_space<vmem>>, vector<16xf32>,
        %parallel_loop3A_541 = arith.constant 16 : i32
        %parallel_loop3A_542 = arith.muli %parallel_loop3A_290, %parallel_loop3A_541 : i32
        %parallel_loop3A_543 = arith.constant 25 : i32
        %parallel_loop3A_544 = arith.index_cast %parallel_loop3A_543 : i32 to index
        %parallel_loop3A_545 = arith.index_cast %parallel_loop3A_542 : i32 to index
        %parallel_loop3A_546 = tpu.vector_load %arg10[%parallel_loop3A_544, %parallel_loop3A_545] {strides = array<i32>} : memref<32x512xf32, #tpu.memory_space<vmem>>, vector<16xf32>,
        tpu.vector_store %arg10[%parallel_loop3A_544, %parallel_loop3A_545], %parallel_loop3A_372 {strides = array<i32>} : memref<32x512xf32, #tpu.memory_space<vmem>>, vector<16xf32>,
        %parallel_loop3A_547 = arith.constant 16 : i32
        %parallel_loop3A_548 = arith.muli %parallel_loop3A_290, %parallel_loop3A_547 : i32
        %parallel_loop3A_549 = arith.constant 26 : i32
        %parallel_loop3A_550 = arith.index_cast %parallel_loop3A_549 : i32 to index
        %parallel_loop3A_551 = arith.index_cast %parallel_loop3A_548 : i32 to index
        %parallel_loop3A_552 = tpu.vector_load %arg10[%parallel_loop3A_550, %parallel_loop3A_551] {strides = array<i32>} : memref<32x512xf32, #tpu.memory_space<vmem>>, vector<16xf32>,
        tpu.vector_store %arg10[%parallel_loop3A_550, %parallel_loop3A_551], %parallel_loop3A_375 {strides = array<i32>} : memref<32x512xf32, #tpu.memory_space<vmem>>, vector<16xf32>,
        %parallel_loop3A_553 = arith.constant 16 : i32
        %parallel_loop3A_554 = arith.muli %parallel_loop3A_290, %parallel_loop3A_553 : i32
        %parallel_loop3A_555 = arith.constant 27 : i32
        %parallel_loop3A_556 = arith.index_cast %parallel_loop3A_555 : i32 to index
        %parallel_loop3A_557 = arith.index_cast %parallel_loop3A_554 : i32 to index
        %parallel_loop3A_558 = tpu.vector_load %arg10[%parallel_loop3A_556, %parallel_loop3A_557] {strides = array<i32>} : memref<32x512xf32, #tpu.memory_space<vmem>>, vector<16xf32>,
        tpu.vector_store %arg10[%parallel_loop3A_556, %parallel_loop3A_557], %parallel_loop3A_378 {strides = array<i32>} : memref<32x512xf32, #tpu.memory_space<vmem>>, vector<16xf32>,
        %parallel_loop3A_559 = arith.constant 16 : i32
        %parallel_loop3A_560 = arith.muli %parallel_loop3A_290, %parallel_loop3A_559 : i32
        %parallel_loop3A_561 = arith.constant 28 : i32
        %parallel_loop3A_562 = arith.index_cast %parallel_loop3A_561 : i32 to index
        %parallel_loop3A_563 = arith.index_cast %parallel_loop3A_560 : i32 to index
        %parallel_loop3A_564 = tpu.vector_load %arg10[%parallel_loop3A_562, %parallel_loop3A_563] {strides = array<i32>} : memref<32x512xf32, #tpu.memory_space<vmem>>, vector<16xf32>,
        tpu.vector_store %arg10[%parallel_loop3A_562, %parallel_loop3A_563], %parallel_loop3A_381 {strides = array<i32>} : memref<32x512xf32, #tpu.memory_space<vmem>>, vector<16xf32>,
        %parallel_loop3A_565 = arith.constant 16 : i32
        %parallel_loop3A_566 = arith.muli %parallel_loop3A_290, %parallel_loop3A_565 : i32
        %parallel_loop3A_567 = arith.constant 29 : i32
        %parallel_loop3A_568 = arith.index_cast %parallel_loop3A_567 : i32 to index
        %parallel_loop3A_569 = arith.index_cast %parallel_loop3A_566 : i32 to index
        %parallel_loop3A_570 = tpu.vector_load %arg10[%parallel_loop3A_568, %parallel_loop3A_569] {strides = array<i32>} : memref<32x512xf32, #tpu.memory_space<vmem>>, vector<16xf32>,
        tpu.vector_store %arg10[%parallel_loop3A_568, %parallel_loop3A_569], %parallel_loop3A_384 {strides = array<i32>} : memref<32x512xf32, #tpu.memory_space<vmem>>, vector<16xf32>,
        %parallel_loop3A_571 = arith.constant 16 : i32
        %parallel_loop3A_572 = arith.muli %parallel_loop3A_290, %parallel_loop3A_571 : i32
        %parallel_loop3A_573 = arith.constant 30 : i32
        %parallel_loop3A_574 = arith.index_cast %parallel_loop3A_573 : i32 to index
        %parallel_loop3A_575 = arith.index_cast %parallel_loop3A_572 : i32 to index
        %parallel_loop3A_576 = tpu.vector_load %arg10[%parallel_loop3A_574, %parallel_loop3A_575] {strides = array<i32>} : memref<32x512xf32, #tpu.memory_space<vmem>>, vector<16xf32>,
        tpu.vector_store %arg10[%parallel_loop3A_574, %parallel_loop3A_575], %parallel_loop3A_387 {strides = array<i32>} : memref<32x512xf32, #tpu.memory_space<vmem>>, vector<16xf32>,
        %parallel_loop3A_577 = arith.constant 16 : i32
        %parallel_loop3A_578 = arith.muli %parallel_loop3A_290, %parallel_loop3A_577 : i32
        %parallel_loop3A_579 = arith.constant 31 : i32
        %parallel_loop3A_580 = arith.index_cast %parallel_loop3A_579 : i32 to index
        %parallel_loop3A_581 = arith.index_cast %parallel_loop3A_578 : i32 to index
        %parallel_loop3A_582 = tpu.vector_load %arg10[%parallel_loop3A_580, %parallel_loop3A_581] {strides = array<i32>} : memref<32x512xf32, #tpu.memory_space<vmem>>, vector<16xf32>,
        tpu.vector_store %arg10[%parallel_loop3A_580, %parallel_loop3A_581], %parallel_loop3A_390 {strides = array<i32>} : memref<32x512xf32, #tpu.memory_space<vmem>>, vector<16xf32>,
      } {sc.loop_unroll_factor = 2 : i64, sc.parallel_access}
      %mul3A_239 = arith.constant 50 : i32
      %mul3A_240 = arith.muli %add3A, %mul3A_239 : i32
      %add3A_241 = arith.addi %mul3A_240, %add3A_220 : i32
      %jit3A_242 = arith.constant 32 : i32
      %div3A_243 = arith.divsi %add3A_241, %jit3A_242 : i32
      %sign3A_244 = arith.constant 0 : i32
      %sign3A_245 = arith.cmpi sgt, %add3A_241, %sign3A_244 : i32
      %sign3A_246 = arith.extui %sign3A_245 : i1 to i32
      %sign3A_247 = arith.constant 0 : i32
      %sign3A_248 = arith.cmpi slt, %add3A_241, %sign3A_247 : i32
      %sign3A_249 = arith.extui %sign3A_248 : i1 to i32
      %sign3A_250 = arith.subi %sign3A_246, %sign3A_249 : i32
      %sign3A_251 = arith.constant 0 : i32
      %sign3A_252 = arith.cmpi sgt, %jit3A_242, %sign3A_251 : i32
      %sign3A_253 = arith.extui %sign3A_252 : i1 to i32
      %sign3A_254 = arith.constant 0 : i32
      %sign3A_255 = arith.cmpi slt, %jit3A_242, %sign3A_254 : i32
      %sign3A_256 = arith.extui %sign3A_255 : i1 to i32
      %sign3A_257 = arith.subi %sign3A_253, %sign3A_256 : i32
      %ne3A_258 = arith.cmpi ne, %sign3A_250, %sign3A_257 : i32
      %rem3A_259 = arith.remsi %add3A_241, %jit3A_242 : i32
      %ne3A_260 = arith.constant 0 : i32
      %ne3A_261 = arith.cmpi ne, %rem3A_259, %ne3A_260 : i32
      %and3A_262 = arith.andi %ne3A_258, %ne3A_261 : i1
      %sub3A_263 = arith.constant 1 : i32
      %sub3A_264 = arith.subi %div3A_243, %sub3A_263 : i32
      %select_n3A_265 = arith.select %and3A_262, %sub3A_264, %div3A_243 : i32
      %jit3A_266 = arith.constant 32 : i32
      %eq3A_267 = arith.constant 0 : i32
      %eq3A_268 = arith.cmpi eq, %jit3A_266, %eq3A_267 : i32
      %jit3A_269 = arith.constant 1 : i32
      %select_n3A_270 = arith.select %eq3A_268, %jit3A_269, %jit3A_266 : i32
      %rem3A_271 = arith.remsi %add3A_241, %select_n3A_270 : i32
      %ne3A_272 = arith.constant 0 : i32
      %ne3A_273 = arith.cmpi ne, %rem3A_271, %ne3A_272 : i32
      %lt3A_274 = arith.constant 0 : i32
      %lt3A_275 = arith.cmpi slt, %rem3A_271, %lt3A_274 : i32
      %lt3A_276 = arith.constant 0 : i32
      %lt3A_277 = arith.cmpi slt, %select_n3A_270, %lt3A_276 : i32
      %ne3A_278 = arith.xori %lt3A_275, %lt3A_277 : i1
      %and3A_279 = arith.andi %ne3A_278, %ne3A_273 : i1
      %add3A_280 = arith.addi %rem3A_271, %select_n3A_270 : i32
      %select_n3A_281 = arith.select %and3A_279, %add3A_280, %rem3A_271 : i32
      %mul3A_282 = arith.constant 512 : i32
      %mul3A_283 = arith.muli %select_n3A_281, %mul3A_282 : i32
      %dma_start3A_284 = arith.constant 0 : i32
      %dma_start3A_285 = tpu.memref_slice %arg4[%select_n3A_265, %dma_start3A_284, %mul3A_283] : memref<50x32x16384xf32, #tpu.memory_space<hbm>> -> memref<1x32x512xf32, #tpu.memory_space<hbm>>
      %dma_start3A_286 = tpu.memref_squeeze %dma_start3A_285 : memref<1x32x512xf32, #tpu.memory_space<hbm>> -> memref<32x512xf32, #tpu.memory_space<hbm>>
      %dma_start3A_287 = arith.constant 0 : i32
      %dma_start3A_288 = tpu.memref_slice %arg4[%select_n3A_265, %dma_start3A_287, %mul3A_283] : memref<50x32x16384xf32, #tpu.memory_space<hbm>> -> memref<1x32x512xf32, #tpu.memory_space<hbm>>
      %dma_start3A_289 = tpu.memref_squeeze %dma_start3A_288 : memref<1x32x512xf32, #tpu.memory_space<hbm>> -> memref<32x512xf32, #tpu.memory_space<hbm>>
      tpu.enqueue_dma source(%arg10 : memref<32x512xf32, #tpu.memory_space<vmem>>) target(%dma_start3A_289 : memref<32x512xf32, #tpu.memory_space<hbm>>) target_semaphore(%arg14 : memref<!tpu.dma_semaphore, #tpu.memory_space<semaphore_mem>>)
    }
    %scan3A_43 = arith.constant 25 : i32
    %mul3A_44 = arith.constant 50 : i32
    %mul3A_45 = arith.muli %add3A, %mul3A_44 : i32
    %add3A_46 = arith.constant 48 : i32
    %add3A_47 = arith.addi %mul3A_45, %add3A_46 : i32
    %jit3A_48 = arith.constant 32 : i32
    %div3A_49 = arith.divsi %add3A_47, %jit3A_48 : i32
    %sign3A_50 = arith.constant 0 : i32
    %sign3A_51 = arith.cmpi sgt, %add3A_47, %sign3A_50 : i32
    %sign3A_52 = arith.extui %sign3A_51 : i1 to i32
    %sign3A_53 = arith.constant 0 : i32
    %sign3A_54 = arith.cmpi slt, %add3A_47, %sign3A_53 : i32
    %sign3A_55 = arith.extui %sign3A_54 : i1 to i32
    %sign3A_56 = arith.subi %sign3A_52, %sign3A_55 : i32
    %sign3A_57 = arith.constant 0 : i32
    %sign3A_58 = arith.cmpi sgt, %jit3A_48, %sign3A_57 : i32
    %sign3A_59 = arith.extui %sign3A_58 : i1 to i32
    %sign3A_60 = arith.constant 0 : i32
    %sign3A_61 = arith.cmpi slt, %jit3A_48, %sign3A_60 : i32
    %sign3A_62 = arith.extui %sign3A_61 : i1 to i32
    %sign3A_63 = arith.subi %sign3A_59, %sign3A_62 : i32
    %ne3A_64 = arith.cmpi ne, %sign3A_56, %sign3A_63 : i32
    %rem3A_65 = arith.remsi %add3A_47, %jit3A_48 : i32
    %ne3A_66 = arith.constant 0 : i32
    %ne3A_67 = arith.cmpi ne, %rem3A_65, %ne3A_66 : i32
    %and3A_68 = arith.andi %ne3A_64, %ne3A_67 : i1
    %sub3A_69 = arith.constant 1 : i32
    %sub3A_70 = arith.subi %div3A_49, %sub3A_69 : i32
    %select_n3A_71 = arith.select %and3A_68, %sub3A_70, %div3A_49 : i32
    %jit3A_72 = arith.constant 32 : i32
    %eq3A_73 = arith.constant 0 : i32
    %eq3A_74 = arith.cmpi eq, %jit3A_72, %eq3A_73 : i32
    %jit3A_75 = arith.constant 1 : i32
    %select_n3A_76 = arith.select %eq3A_74, %jit3A_75, %jit3A_72 : i32
    %rem3A_77 = arith.remsi %add3A_47, %select_n3A_76 : i32
    %ne3A_78 = arith.constant 0 : i32
    %ne3A_79 = arith.cmpi ne, %rem3A_77, %ne3A_78 : i32
    %lt3A_80 = arith.constant 0 : i32
    %lt3A_81 = arith.cmpi slt, %rem3A_77, %lt3A_80 : i32
    %lt3A_82 = arith.constant 0 : i32
    %lt3A_83 = arith.cmpi slt, %select_n3A_76, %lt3A_82 : i32
    %ne3A_84 = arith.xori %lt3A_81, %lt3A_83 : i1
    %and3A_85 = arith.andi %ne3A_84, %ne3A_79 : i1
    %add3A_86 = arith.addi %rem3A_77, %select_n3A_76 : i32
    %select_n3A_87 = arith.select %and3A_85, %add3A_86, %rem3A_77 : i32
    %mul3A_88 = arith.constant 512 : i32
    %mul3A_89 = arith.muli %select_n3A_87, %mul3A_88 : i32
    %dma_wait3A = arith.constant 0 : i32
    %dma_wait3A_90 = tpu.memref_slice %arg4[%select_n3A_71, %dma_wait3A, %mul3A_89] : memref<50x32x16384xf32, #tpu.memory_space<hbm>> -> memref<1x32x512xf32, #tpu.memory_space<hbm>>
    %dma_wait3A_91 = tpu.memref_squeeze %dma_wait3A_90 : memref<1x32x512xf32, #tpu.memory_space<hbm>> -> memref<32x512xf32, #tpu.memory_space<hbm>>
    %dma_wait3A_92 = arith.constant 0 : i32
    %dma_wait3A_93 = tpu.memref_slice %arg4[%select_n3A_71, %dma_wait3A_92, %mul3A_89] : memref<50x32x16384xf32, #tpu.memory_space<hbm>> -> memref<1x32x512xf32, #tpu.memory_space<hbm>>
    %dma_wait3A_94 = tpu.memref_squeeze %dma_wait3A_93 : memref<1x32x512xf32, #tpu.memory_space<hbm>> -> memref<32x512xf32, #tpu.memory_space<hbm>>
    tpu.wait_dma2 semaphore(%arg13 : memref<!tpu.dma_semaphore, #tpu.memory_space<semaphore_mem>>) src(%arg9 : memref<32x512xf32, #tpu.memory_space<vmem>>) dst(%dma_wait3A_94 : memref<32x512xf32, #tpu.memory_space<hbm>>)
    %mul3A_95 = arith.constant 50 : i32
    %mul3A_96 = arith.muli %add3A, %mul3A_95 : i32
    %add3A_97 = arith.constant 49 : i32
    %add3A_98 = arith.addi %mul3A_96, %add3A_97 : i32
    %jit3A_99 = arith.constant 32 : i32
    %div3A_100 = arith.divsi %add3A_98, %jit3A_99 : i32
    %sign3A_101 = arith.constant 0 : i32
    %sign3A_102 = arith.cmpi sgt, %add3A_98, %sign3A_101 : i32
    %sign3A_103 = arith.extui %sign3A_102 : i1 to i32
    %sign3A_104 = arith.constant 0 : i32
    %sign3A_105 = arith.cmpi slt, %add3A_98, %sign3A_104 : i32
    %sign3A_106 = arith.extui %sign3A_105 : i1 to i32
    %sign3A_107 = arith.subi %sign3A_103, %sign3A_106 : i32
    %sign3A_108 = arith.constant 0 : i32
    %sign3A_109 = arith.cmpi sgt, %jit3A_99, %sign3A_108 : i32
    %sign3A_110 = arith.extui %sign3A_109 : i1 to i32
    %sign3A_111 = arith.constant 0 : i32
    %sign3A_112 = arith.cmpi slt, %jit3A_99, %sign3A_111 : i32
    %sign3A_113 = arith.extui %sign3A_112 : i1 to i32
    %sign3A_114 = arith.subi %sign3A_110, %sign3A_113 : i32
    %ne3A_115 = arith.cmpi ne, %sign3A_107, %sign3A_114 : i32
    %rem3A_116 = arith.remsi %add3A_98, %jit3A_99 : i32
    %ne3A_117 = arith.constant 0 : i32
    %ne3A_118 = arith.cmpi ne, %rem3A_116, %ne3A_117 : i32
    %and3A_119 = arith.andi %ne3A_115, %ne3A_118 : i1
    %sub3A_120 = arith.constant 1 : i32
    %sub3A_121 = arith.subi %div3A_100, %sub3A_120 : i32
    %select_n3A_122 = arith.select %and3A_119, %sub3A_121, %div3A_100 : i32
    %jit3A_123 = arith.constant 32 : i32
    %eq3A_124 = arith.constant 0 : i32
    %eq3A_125 = arith.cmpi eq, %jit3A_123, %eq3A_124 : i32
    %jit3A_126 = arith.constant 1 : i32
    %select_n3A_127 = arith.select %eq3A_125, %jit3A_126, %jit3A_123 : i32
    %rem3A_128 = arith.remsi %add3A_98, %select_n3A_127 : i32
    %ne3A_129 = arith.constant 0 : i32
    %ne3A_130 = arith.cmpi ne, %rem3A_128, %ne3A_129 : i32
    %lt3A_131 = arith.constant 0 : i32
    %lt3A_132 = arith.cmpi slt, %rem3A_128, %lt3A_131 : i32
    %lt3A_133 = arith.constant 0 : i32
    %lt3A_134 = arith.cmpi slt, %select_n3A_127, %lt3A_133 : i32
    %ne3A_135 = arith.xori %lt3A_132, %lt3A_134 : i1
    %and3A_136 = arith.andi %ne3A_135, %ne3A_130 : i1
    %add3A_137 = arith.addi %rem3A_128, %select_n3A_127 : i32
    %select_n3A_138 = arith.select %and3A_136, %add3A_137, %rem3A_128 : i32
    %mul3A_139 = arith.constant 512 : i32
    %mul3A_140 = arith.muli %select_n3A_138, %mul3A_139 : i32
    %dma_wait3A_141 = arith.constant 0 : i32
    %dma_wait3A_142 = tpu.memref_slice %arg4[%select_n3A_122, %dma_wait3A_141, %mul3A_140] : memref<50x32x16384xf32, #tpu.memory_space<hbm>> -> memref<1x32x512xf32, #tpu.memory_space<hbm>>
    %dma_wait3A_143 = tpu.memref_squeeze %dma_wait3A_142 : memref<1x32x512xf32, #tpu.memory_space<hbm>> -> memref<32x512xf32, #tpu.memory_space<hbm>>
    %dma_wait3A_144 = arith.constant 0 : i32
    %dma_wait3A_145 = tpu.memref_slice %arg4[%select_n3A_122, %dma_wait3A_144, %mul3A_140] : memref<50x32x16384xf32, #tpu.memory_space<hbm>> -> memref<1x32x512xf32, #tpu.memory_space<hbm>>
    %dma_wait3A_146 = tpu.memref_squeeze %dma_wait3A_145 : memref<1x32x512xf32, #tpu.memory_space<hbm>> -> memref<32x512xf32, #tpu.memory_space<hbm>>
    tpu.wait_dma2 semaphore(%arg14 : memref<!tpu.dma_semaphore, #tpu.memory_space<semaphore_mem>>) src(%arg10 : memref<32x512xf32, #tpu.memory_space<vmem>>) dst(%dma_wait3A_146 : memref<32x512xf32, #tpu.memory_space<hbm>>)
    return
  }
}

</mosaic_0001>

<sc_bundles>
// kernel: kernel.3.cloned.1.call-start
scs
__scs_entry_jumppad:
0x0: {  	(pc) =	sbr.rel $0x88, $3  }
0x1: {  	(tag) =	ssettag $0x0;
	lr =	simm.s32 $0x1  }
0x2: {  	[smem:$0x3F9F] =	sst lr;
	_ =	strace $0xD0000000  }
0x3: {  	_ = 	snop  }
0x4: {  	_ = 	snop  }
0x5: {  	_ = 	snop  }
0x6: {  	_ = 	snop  }
0x7: {  	_ = 	snop  }
__scs_overlays_trampoline_lowered:
0x8: {  	[smem:$0x3FAE] =	sst s0  }
0x9: {  	[smem:$0x3FAF] =	sst s1  }
0xa: {  	[smem:$0x3FB0] =	sst s2  }
0xb: {  	[smem:$0x3FB1] =	sst s3  }
0xc: {  	[smem:$0x3FB2] =	sst s4  }
0xd: {  	[smem:$0x3FB3] =	sst s5  }
0xe: {  	[smem:$0x3FB4] =	sst s6  }
0xf: {  	[smem:$0x3FB5] =	sst s7  }
0x10: {  	[smem:$0x3FB6] =	sst s8  }
0x11: {  	[smem:$0x3FB7] =	sst s9;
	s0 =	simm.s32 @!p0 $0x0  }
0x12: {  	s1 =	sld [smem:$0x3F9D];
	s0 =	simm.s32 @p0 $0x1  }
0x13: {  	[smem:$0x3FB8] =	sst s0;
	s0 =	simm.s32 @!p1 $0x0  }
0x14: {  	s2 =	sld [smem:$0x3F9C];
	s0 =	simm.s32 @p1 $0x1  }
0x15: {  	[smem:$0x3FB9] =	sst s0;
	s0 =	simm.s32 @!p2 $0x0  }
0x16: {  	s3 =	sld [smem:$0x3FDB];
	s0 =	simm.s32 @p2 $0x1  }
0x17: {  	s4 =	simm.s32 $0x1BF5;
	[smem:$0x3FBB] =	sst s0  }
0x18: {  	s0 =	sld [smem:$0x3F9E];
	_ =	swait.ge [sflag:s4], $0x0  }
0x19: {  	s7 =	sld [smem:$0x3F9F]  }
0x1a: {  	s8 =	sadd.s32 $0xFFFFE003, lr  }
0x1b: {  	s9 =	sadd.s32 $0xFFFFFEF7, lr;
	s5 =	simm.s32 $0xFFFFFFFF;
	p2 =	slt.u32 s8, $0xFFFFF086  }
0x1c: {  	p1 =	slt.u32 s9, $0xF7A;
	s5 =	simm.s32 @!p2 $0x0  }
0x1d: {  	s5 =	simm.s32 @p1 $0x1;
	p0 =	seq.s32 s7, s2  }
0x1e: {  	s7 =	smul.u32 @!p0 $0xF7A, s2;
	p2 =	seq.s32 @!p0 s5, $0x0  }
0x1f: {  	s9 =	smul.u32 $0xF7A, s1;
	s8 =	simm.s32 @!p0 $0x1BF5;
	p2 =	por !p2, p0  }
0x20: {  	[sflag:s8] =	ssyncset.s32 @!p0 $0xFFFFF086;
	s6 =	sadd.s32 @!p0 s3, s7;
	s7 =	simm.s32 @!p0 $0x108  }
0x21: {  	s3 =	sadd.s32 s3, s9;
	s6 =	sadd.s32 @!p0 $0x88, s6;
	s7 =	simm.s32 @p2 $0x1082  }
0x22: {  	[simem:s7], [sflag:s8] =	dma.local @!p0 [hbm:s6], $0xF7A  }
0x23: {  	s9 =	sor.u32 $0xD0000000, s2;
	s6 =	simm.s32 $0x108;
	_ =	swait.ge @!p0 [sflag:s8], $0x0  }
0x24: {  	s3 =	sadd.s32 $0x88, s3;
	s6 =	simm.s32 @!p1 $0x1082;
	[sflag:s4] =	ssyncset.s32 $0xFFFFF086  }
0x25: {  	[simem:s6], [sflag:s4] =	dma.local [hbm:s3], $0xF7A  }
0x26: {  	[smem:$0x3F9F] =	sst s1;
	(tag) =	ssettag s2;
	_ =	strace s9  }
0x27: {  	s1 =	sld [smem:$0x3FAF]  }
0x28: {  	s2 =	sld [smem:$0x3FB0]  }
0x29: {  	s4 =	sld [smem:$0x3FB2]  }
0x2a: {  	p0 =	seq.s32 s5, $0x0;
	s5 =	sld [smem:$0x3FB3]  }
0x2b: {  	s6 =	sld [smem:$0x3FB4]  }
0x2c: {  	s7 =	sld [smem:$0x3FB5]  }
0x2d: {  	s3 =	simm.s32 $0x108;
	s8 =	sld [smem:$0x3FB6]  }
0x2e: {  	s3 =	simm.s32 @!p0 $0x1082;
	s9 =	sld [smem:$0x3FB7]  }
0x2f: {  	lr =	sadd.s32 s0, s3;
	s0 =	sld [smem:$0x3FAE]  }
0x30: {  	s3 =	sld [smem:$0x3FB1]  }
0x31: {  	[smem:$0x3FBA] =	sst s10  }
0x32: {  	s10 =	sld [smem:$0x3FB8];
	_ =	sdelay $0x3  }
0x33: {  	p0 =	seq.s32 s10, $0x1;
	s10 =	sld [smem:$0x3FBA];
	_ =	sdelay $0x3  }
0x34: {  	[smem:$0x3FBA] =	sst s10  }
0x35: {  	s10 =	sld [smem:$0x3FB9];
	_ =	sdelay $0x3  }
0x36: {  	p1 =	seq.s32 s10, $0x1;
	s10 =	sld [smem:$0x3FBA];
	_ =	sdelay $0x3  }
0x37: {  	[smem:$0x3FBA] =	sst s10  }
0x38: {  	s10 =	sld [smem:$0x3FBB]  }
0x39: {  	_ = 	snop;
	(pc) =	sbr.ind lr, $3  }
0x3a: {  	_ = 	snop  }
0x3b: {  	_ = 	snop  }
0x3c: {  	p2 =	seq.s32 s10, $0x1;
	s10 =	sld [smem:$0x3FBA]  }
0x3d: {  	_ =	shalt  }
0x3e: {  	_ =	shalt  }
0x3f: {  	_ =	shalt  }
0x40: {  	_ =	shalt  }
0x41: {  	_ =	shalt  }
0x42: {  	_ =	shalt  }
0x43: {  	_ =	shalt  }
0x44: {  	_ =	shalt  }
0x45: {  	_ =	shalt  }
0x46: {  	_ =	shalt  }
0x47: {  	_ =	shalt  }
0x48: {  	_ =	shalt  }
0x49: {  	_ =	shalt  }
0x4a: {  	_ =	shalt  }
0x4b: {  	_ =	shalt  }
0x4c: {  	_ =	shalt  }
0x4d: {  	_ =	shalt  }
0x4e: {  	_ =	shalt  }
0x4f: {  	_ =	shalt  }
0x50: {  	_ =	shalt  }
0x51: {  	_ =	shalt  }
0x52: {  	_ =	shalt  }
0x53: {  	_ =	shalt  }
0x54: {  	_ =	shalt  }
0x55: {  	_ =	shalt  }
0x56: {  	_ =	shalt  }
0x57: {  	_ =	shalt  }
0x58: {  	_ =	shalt  }
0x59: {  	_ =	shalt  }
0x5a: {  	_ =	shalt  }
0x5b: {  	_ =	shalt  }
0x5c: {  	_ =	shalt  }
0x5d: {  	_ =	shalt  }
0x5e: {  	_ =	shalt  }
0x5f: {  	_ =	shalt  }
0x60: {  	_ =	shalt  }
0x61: {  	_ =	shalt  }
0x62: {  	_ =	shalt  }
0x63: {  	_ =	shalt  }
0x64: {  	_ =	shalt  }
0x65: {  	_ =	shalt  }
0x66: {  	_ =	shalt  }
0x67: {  	_ =	shalt  }
0x68: {  	_ =	shalt  }
0x69: {  	_ =	shalt  }
0x6a: {  	_ =	shalt  }
0x6b: {  	_ =	shalt  }
0x6c: {  	_ =	shalt  }
0x6d: {  	_ =	shalt  }
0x6e: {  	_ =	shalt  }
0x6f: {  	_ =	shalt  }
0x70: {  	_ =	shalt  }
0x71: {  	_ =	shalt  }
0x72: {  	_ =	shalt  }
0x73: {  	_ =	shalt  }
0x74: {  	_ =	shalt  }
0x75: {  	_ =	shalt  }
0x76: {  	_ =	shalt  }
0x77: {  	_ =	shalt  }
0x78: {  	_ =	shalt  }
0x79: {  	_ =	shalt  }
0x7a: {  	_ =	shalt  }
0x7b: {  	_ =	shalt  }
0x7c: {  	_ =	shalt  }
0x7d: {  	_ =	shalt  }
0x7e: {  	_ =	shalt  }
0x7f: {  	_ =	shalt  }
0x80: {  	_ =	shalt  }
0x81: {  	_ =	shalt  }
0x82: {  	_ =	shalt  }
0x83: {  	_ =	shalt  }
0x84: {  	_ =	shalt  }
0x85: {  	_ =	shalt  }
0x86: {  	_ =	shalt  }
0x87: {  	_ =	shalt  }
.Lfunc_end0:
.L_simem_size_0:
called_computation_lowered:
.L_overlay_start_0:
0x88: {  	s2 =	sld [smem:$0x3FD9]  }
0x89: {  	s3 =	sld [smem:$0x3FFE];
	_ =	sdelay $0x1  }
0x8a: {  	s1 =	srdreg.scid  }
0x8b: {  	s0 =	sand.u32 $0x1, s1  }
0x8c: {  	s17 =	sshll.u32 s0, $0xA;
	s2 =	sadd.s32 s3, s2  }
0x8d: {  	s2 =	sadd.s32 s2, s17  }
0x8e: {  	[smem:$0x3FC6] =	sst s2  }
0x8f: {  	_ = 	snop  }
0x90: {  	s2 =	sld [smem:$0x3FD0];
	(tm) =	ssettm $0x1  }
0x91: {  	s18 =	sld [smem:$0x3FFB];
	_ =	sdelay $0x3  }
0x92: {  	_ =	strace s18  }
0x93: {  	s3 =	sld [smem:$0x3FFC];
	_ =	sdelay $0x3  }
0x94: {  	_ =	strace s3  }
0x95: {  	s3 =	sld [smem:$0x3FFD];
	_ =	sdelay $0x3  }
0x96: {  	_ =	strace s3  }
0x97: {  	_ =	strace $0x8FFFFFFF  }
0x98: {  	s19 =	sld [smem:$0x3FDB];
	_ =	sdelay $0x1  }
0x99: {  	s4 =	simm.s32 $_scs_section_size  }
0x9a: {  	s5 =	simm.s32 $_size__tile_overlayer_lowered;
	s6 =	simm.s32 $_tile_overlayer_lowered  }
0x9b: {  	s22 =	simm.s32 $0x1BFF;
	s21 =	sshll.u32 s6, $0x1;
	s3 =	sadd.s32 s4, s19  }
0x9c: {  	s7 =	simm.s32 $0x0;
	s20 =	sshll.u32 s5, $0x1;
	s5 =	sadd.s32 s21, s3  }
0x9d: {  	[timem:s7], [sflag:s22] =	dma.local [hbm:s5], s20  }
0x9e: {  	_ =	swait.ge [sflag:s22], s20  }
0x9f: {  	s4 =	ssub.s32 $0x0, s20;
	[sflag:s22] =	ssyncset.done $0x0  }
0xa0: {  	[sflag:s22] =	ssyncadd.s32 s4;
	_ =	sdelay $0x1  }
0xa1: {  	s23 =	simm.s32 $0x1B8B  }
0xa2: {  	_ =	swait.ge [sflag:s23], $0x1  }
0xa3: {  	[sflag:s23] =	ssyncset.done $0x0  }
0xa4: {  	s25 =	simm.s32 $0x1B8E;
	s24 =	sld [smem:$0x3FFE];
	[sflag:s23] =	ssyncadd.s32 $0xFFFFFFFF  }
0xa5: {  	s26 =	simm.s32 $execute0_lowered;
	[smem:$0x3FD2] =	sst s25  }
0xa6: {  	s5 =	sshll.u32 s26, $0x1;
	_ =	strace $0x80000046;
	[dreg:$0x1] =	wrdreg $0xFFFFFFFF  }
0xa7: {  	s28 =	simm.s32 $_size_execute0_lowered;
	s3 =	sadd.s32 s3, s5;
	[dreg:$0x0] =	wrdreg $0x0  }
0xa8: {  	s5 =	sshll.u32 s28, $0x1;
	[dreg:$0x2] =	wrdreg s3  }
0xa9: {  	[dreg:$0x3] =	wrdreg s5  }
0xaa: {  	[dreg:$0x4] =	wrdreg $0xC0  }
0xab: {  	_ =	task [dreg:s7], $0x5FFFF  }
0xac: {  	[dreg:$0x1] =	wrdreg $0xFFFFFFFF  }
0xad: {  	[dreg:$0x0] =	wrdreg $0x60  }
0xae: {  	[dreg:$0x2] =	wrdreg s2  }
0xaf: {  	[dreg:$0x3] =	wrdreg s24  }
0xb0: {  	[dreg:$0x4] =	wrdreg $0x9  }
0xb1: {  	_ =	task.clear_ibuf [dreg:s7], $0x5FFFF;
	_ =	strace $0x90000046  }
0xb2: {  	s29 =	simm.s32 $0x9;
	_ =	strace $0x80000048  }
0xb3: {  	_ =	swait.ge [sflag:s29], $0x1  }
0xb4: {  	[sflag:s29] =	ssyncadd.s32 $0xFFFFFFFF  }
0xb5: {  	_ =	strace $0x90000048  }
0xb6: {  	_ =	sfence  }
0xb7: {  	s30 =	sld [smem:$0x0];
	_ =	sdelay $0x2  }
0xb8: {  	s31 =	sshll.u32 s1, $0xD;
	s1 =	sshrl.u32 s1, $0x2  }
0xb9: {  	s3 =	sand.u32 $0x4000, s31;
	s1 =	sadd.s32 s1, s30  }
0xba: {  	s0 =	sor.u32 s3, s0;
	s1 =	sshll.u32 s1, $0x11  }
0xbb: {  	s0 =	sor.u32 s1, s0  }
0xbc: {  	s0 =	sadd.s32 $0x8F2B, s0  }
0xbd: {  	[sflag:s0] =	ssyncadd.remote.s32 $0x1  }
0xbe: {  	_ =	sfence.sel $0xFFFF  }
0xbf: {  	[dreg:$0x0] =	wrdreg $0xFFFFFFFF;
	(pc) =	sbr.abs _section_cstart, $3  }
0xc0: {  	[dreg:$0x1] =	wrdreg $0xFFFFFFFF  }
0xc1: {  	_ =	task.clear_ibuf [dreg:s7], $0x2FFFF;
	_ =	strace $0x9FFFFFFF  }
0xc2: {  	(tm) =	ssettm $0x7FFFFFFF  }
0xc3: {  	_ =	shalt  }
tec
execute0_lowered:
.L_overlay_start_1:
0x0: {  	(tag) =	ssettag $0x1  }
0x1: {  	s1 =	srdreg.scid;
	s2 =	rddreg [dreg:$0x0]  }
0x2: {  	s0 =	stileid.u32;
	s6 =	rddreg [dreg:$0x1];
	s3 =	simm.s32 $0x0  }
0x3: {  	s12 =	simm.s32 $0x400;
	s13 =	simm.s32 $0x1;
	s14 =	simm.s32 $0x4400  }
0x4: {  	s15 =	simm.s32 $0x4000;
	s16 =	simm.s32 $0x8400;
	s17 =	simm.s32 $0x2  }
0x5: {  	s18 =	simm.s32 $0xC400;
	s5 =	sand.u32 $0x1, s1;
	s29 =	sshll.u32 s0, $0x1  }
0x6: {  	s19 =	simm.s32 $0x3;
	s20 =	simm.s32 $0x4;
	s7 =	sor.u32 s5, s29  }
0x7: {  	s21 =	simm.s32 $0x0;
	s1 =	rddreg [dreg:$0x2];
	s8 =	smul.u32 $0x6400, s7  }
0x8: {  	[smem:$0x7FF] =	sst s3;
	s4 =	sadd.s32 $0xF42A00, s6;
	s9 =	smul.u32 $0x2400, s7  }
0x9: {  	s6 =	sadd.s32 $0x600, s6;
	_ =	strace $0x80000047;
	s10 =	ssub.s32 $0x2, s5  }
0xa: {  	v0 =	vlaneseq.u32;
	s11 =	sshrl.u32 s10, $0x1;
	s8 =	sand.u32 $0xFC000, s8;
	s9 =	sand.u32 $0x3C00, s9  }
0xb: {  	v45 =	vmul.u32 $0x20, v0;
	s5 =	smul.u32 $0x32, s7;
	s31 =	ssub.s32 s10, s11;
	s30 =	sor.u32 s9, s8  }
0xc: {  	s10 =	simm.s32 $0x5;
	s11 =	simm.s32 $0x200;
	s7 =	sshrl.u32 s30, $0x3  }
0xd: {  	[tilespmem:$0x1FFF0] =	vst v45;
	s8 =	sadd.s32 $0x2, s5;
	s9 =	smax.u32 s31, $0x1;
	s7 =	sadd.s32 s2, s7  }
.LBB2_1:
0xe: {  	[tilespmem:s3], [sflag:$0x5] =	stream.linear.gather [hbm4b:s7+s3], $0x200, $0x38;
	[tilespmem:$0x10400] =	vst v63  }
0xf: {  	_ =	swait.ge [sflag:s10], $0x200  }
0x10: {  	[sflag:s10] =	ssyncset.done $0x0  }
0x11: {  	s22 =	simm.s32 $0x0;
	[sflag:s10] =	ssyncadd.s32 $0xFFFFFE00  }
0x12: {  	[tilespmem:s12], [sflag:$0x1] =	stream.indirect.gather [hbm4b:s4+s11], $0x20, s3, s11, $0xb8;
	[tilespmem:$0x10400] =	vst v63  }
.LBB2_2:
0x13: {  	s25 =	sshll.u32 s22, $0x1  }
0x14: {  	s23 =	sadd.s32 s25, s5  }
0x15: {  	s23 =	sadd.s32 $0x1, s23  }
0x16: {  	_ =	swait.ge [sflag:s13], $0x4000;
	s24 =	sshll.u32 s23, $0x6  }
0x17: {  	[sflag:s13] =	ssyncset.done $0x0;
	s26 =	sand.u32 $0xFFFFFC0, s24  }
0x18: {  	s30 =	simm.s32 $0x10;
	[sflag:s13] =	ssyncadd.s32 $0xFFFFC000;
	s26 =	sadd.s32 s2, s26  }
0x19: {  	[tilespmem:s11], [sflag:$0x5] =	stream.linear.gather [hbm4b:s26+s3], $0x200, $0x38;
	[tilespmem:$0x10400] =	vst v63  }
0x1a: {  	v0 =	vmov s30;
	_ =	swait.ge [sflag:s10], $0x200  }
0x1b: {  	p0 =	seq.s32 s22, $0x0;
	v0 =	vshll.u32 v0, $0x5;
	[sflag:s10] =	ssyncset.done $0x0  }
0x1c: {  	v0 =	vor.u32 v45, v0;
	s26 =	simm.s32 @!p0 $0x3;
	[sflag:s10] =	ssyncadd.s32 $0xFFFFFE00  }
0x1d: {  	[tilespmem:s14], [sflag:$0x2] =	stream.indirect.gather [hbm4b:s4+s11], $0x20, s11, s11, $0xb8;
	[tilespmem:$0x10400] =	vst v63  }
0x1e: {  	_ =	swait.ge @!p0 [sflag:s26], $0x4000  }
0x1f: {  	[sflag:s26] =	ssyncset.done @!p0 $0x0  }
0x20: {  	[sflag:s26] =	ssyncadd.s32 @!p0 $0xFFFFC000  }
0x21: {  	v5 =	vld.idx.msk [tilespmem:v0+s12+$0x0], $0xffff  }
0x22: {  	v1 =	vor.u32 $0x1, v0  }
0x23: {  	v2 =	vor.u32 $0x2, v0  }
0x24: {  	v3 =	vor.u32 $0x3, v0  }
0x25: {  	v4 =	vor.u32 $0x4, v0  }
0x26: {  	v6 =	vor.u32 $0x6, v0;
	[tilespmem:$0x1FFD0] =	vst v5  }
0x27: {  	v7 =	vor.u32 $0x7, v0;
	v1 =	vld.idx.msk [tilespmem:v1+s12+$0x0], $0xffff  }
0x28: {  	v8 =	vor.u32 $0x8, v0;
	v2 =	vld.idx.msk [tilespmem:v2+s12+$0x0], $0xffff  }
0x29: {  	v9 =	vor.u32 $0x9, v0;
	v3 =	vld.idx.msk [tilespmem:v3+s12+$0x0], $0xffff  }
0x2a: {  	v10 =	vor.u32 $0xA, v0;
	v4 =	vld.idx.msk [tilespmem:v4+s12+$0x0], $0xffff  }
0x2b: {  	v11 =	vor.u32 $0xB, v0;
	v6 =	vld.idx.msk [tilespmem:v6+s12+$0x0], $0xffff  }
0x2c: {  	v12 =	vor.u32 $0xC, v0;
	v7 =	vld.idx.msk [tilespmem:v7+s12+$0x0], $0xffff  }
0x2d: {  	v13 =	vor.u32 $0xD, v0;
	v8 =	vld.idx.msk [tilespmem:v8+s12+$0x0], $0xffff  }
0x2e: {  	v14 =	vor.u32 $0xE, v0;
	v9 =	vld.idx.msk [tilespmem:v9+s12+$0x0], $0xffff  }
0x2f: {  	v15 =	vor.u32 $0x10, v0;
	v16 =	vld.idx.msk [tilespmem:v10+s12+$0x0], $0xffff  }
0x30: {  	v17 =	vor.u32 $0x11, v0;
	v11 =	vld.idx.msk [tilespmem:v11+s12+$0x0], $0xffff  }
0x31: {  	s31 =	simm.s32 $0x0;
	v19 =	vor.u32 $0x13, v0;
	v12 =	vld.idx.msk [tilespmem:v12+s12+$0x0], $0xffff  }
0x32: {  	v23 =	vmov s31;
	v22 =	vor.u32 $0x16, v0;
	v18 =	vld.idx.msk [tilespmem:v13+s12+$0x0], $0xffff  }
0x33: {  	v23 =	vshll.u32 v23, $0x5;
	v24 =	vor.u32 $0x1D, v0;
	v14 =	vld.idx.msk [tilespmem:v14+s12+$0x0], $0xffff  }
0x34: {  	v44 =	vor.u32 v45, v23;
	v21 =	vld.idx.msk [tilespmem:v15+s12+$0x0], $0xffff  }
0x35: {  	v10 =	vor.u32 $0xF, v0;
	v17 =	vld.idx.msk [tilespmem:v17+s12+$0x0], $0xffff  }
0x36: {  	v13 =	vor.u32 $0x12, v0;
	v27 =	vld.idx.msk [tilespmem:v19+s12+$0x0], $0xffff  }
0x37: {  	v5 =	vor.u32 $0x5, v0;
	v36 =	vld.idx.msk [tilespmem:v22+s12+$0x0], $0xffff  }
0x38: {  	v15 =	vor.u32 $0x15, v0;
	v31 =	vld.idx.msk [tilespmem:v24+s12+$0x0], $0xffff  }
0x39: {  	v19 =	vor.u32 $0x18, v0;
	v23 =	vld.idx.msk [tilespmem:v44+s12+$0x0], $0xffff  }
0x3a: {  	v20 =	vld.idx.msk [tilespmem:v10+s12+$0x0], $0xffff;
	v10 =	vor.u32 $0x14, v0  }
0x3b: {  	v25 =	vld.idx.msk [tilespmem:v13+s12+$0x0], $0xffff;
	v13 =	vor.u32 $0x17, v0  }
0x3c: {  	v22 =	vor.u32 $0x1A, v0;
	v5 =	vld.idx.msk [tilespmem:v5+s12+$0x0], $0xffff  }
0x3d: {  	v34 =	vld.idx.msk [tilespmem:v15+s12+$0x0], $0xffff;
	v15 =	vor.u32 $0x19, v0  }
0x3e: {  	v41 =	vld.idx.msk [tilespmem:v19+s12+$0x0], $0xffff;
	v19 =	vor.u32 $0x1C, v0  }
0x3f: {  	v28 =	vld.idx.msk [tilespmem:v10+s12+$0x0], $0xffff;
	v10 =	vor.u32 $0x1F, v0  }
0x40: {  	v40 =	vld.idx.msk [tilespmem:v13+s12+$0x0], $0xffff;
	v13 =	vor.u32 $0x1B, v0  }
0x41: {  	v39 =	vld.idx.msk [tilespmem:v22+s12+$0x0], $0xffff;
	v0 =	vor.u32 $0x1E, v0  }
0x42: {  	v38 =	vld.idx.msk [tilespmem:v15+s12+$0x0], $0xffff  }
0x43: {  	v15 =	vor.u32 $0x1, v44;
	v35 =	vld.idx.msk [tilespmem:v19+s12+$0x0], $0xffff  }
0x44: {  	v19 =	vor.u32 $0x3, v44;
	v10 =	vld.idx.msk [tilespmem:v10+s12+$0x0], $0xffff  }
0x45: {  	v22 =	vor.u32 $0x4, v44;
	v37 =	vld.idx.msk [tilespmem:v13+s12+$0x0], $0xffff  }
0x46: {  	v51 =	vor.u32 $0x5, v44;
	s26 =	simm.s32 $0xA400;
	v32 =	vld.idx.msk [tilespmem:v0+s12+$0x0], $0xffff;
	[tilespmem:$0x1FFE0] =	vst v23  }
0x47: {  	v52 =	vor.u32 $0x7, v44;
	[tilespmem:s26+$0xFFFFE210] =	vst v1  }
0x48: {  	v53 =	vor.u32 $0x8, v44;
	v33 =	vld.idx.msk [tilespmem:v15+s12+$0x0], $0xffff;
	[tilespmem:s26+$0xFFFFE410] =	vst v2  }
0x49: {  	v55 =	vor.u32 $0xB, v44;
	v29 =	vld.idx.msk [tilespmem:v19+s12+$0x0], $0xffff;
	[tilespmem:s26+$0xFFFFE610] =	vst v3  }
0x4a: {  	v56 =	vor.u32 $0xD, v44;
	v26 =	vld.idx.msk [tilespmem:v22+s12+$0x0], $0xffff;
	[tilespmem:s26+$0xFFFFE810] =	vst v4  }
0x4b: {  	v57 =	vor.u32 $0xE, v44;
	v24 =	vld.idx.msk [tilespmem:v51+s12+$0x0], $0xffff;
	[tilespmem:s26+$0xFFFFEA10] =	vst v5  }
0x4c: {  	v58 =	vor.u32 $0xF, v44;
	[tilespmem:s26+$0xFFFFEC10] =	vst v6;
	v19 =	vld.idx.msk [tilespmem:v52+s12+$0x0], $0xffff  }
0x4d: {  	v59 =	vor.u32 $0x11, v44;
	[tilespmem:s26+$0xFFFFEE10] =	vst v7;
	v15 =	vld.idx.msk [tilespmem:v53+s12+$0x0], $0xffff  }
0x4e: {  	v60 =	vor.u32 $0x13, v44;
	[tilespmem:s26+$0xFFFFF010] =	vst v8;
	v7 =	vld.idx.msk [tilespmem:v55+s12+$0x0], $0xffff  }
0x4f: {  	v6 =	vld.idx.msk [tilespmem:v56+s12+$0x0], $0xffff;
	[tilespmem:s26+$0x1E10] =	vst v10;
	v10 =	vor.u32 $0x6, v44  }
0x50: {  	v4 =	vor.u32 $0xA, v44;
	[tilespmem:s26+$0xFFFFF210] =	vst v9;
	v8 =	vld.idx.msk [tilespmem:v57+s12+$0x0], $0xffff  }
0x51: {  	v61 =	vor.u32 $0x14, v44;
	[tilespmem:s26+$0xFFFFF610] =	vst v11;
	v11 =	vld.idx.msk [tilespmem:v58+s12+$0x0], $0xffff  }
0x52: {  	v62 =	vor.u32 $0x15, v44;
	[tilespmem:s26+$0xFFFFF410] =	vst v16;
	v16 =	vld.idx.msk [tilespmem:v59+s12+$0x0], $0xffff  }
0x53: {  	v63 =	vor.u32 $0x17, v44;
	[tilespmem:s26+$0x10] =	vst v21;
	v21 =	vld.idx.msk [tilespmem:v60+s12+$0x0], $0xffff  }
0x54: {  	v5 =	vor.u32 $0xC, v44;
	[tilespmem:s26+$0xFFFFF810] =	vst v12;
	v23 =	vld.idx.msk [tilespmem:v10+s12+$0x0], $0xffff  }
0x55: {  	[tilespmem:s26+$0xFFFFFA10] =	vst v18;
	v10 =	vld.idx.msk [tilespmem:v4+s12+$0x0], $0xffff;
	v4 =	vor.u32 $0x10, v44  }
0x56: {  	v13 =	vor.u32 $0x2, v44;
	[tilespmem:s26+$0x210] =	vst v17;
	v17 =	vld.idx.msk [tilespmem:v61+s12+$0x0], $0xffff  }
0x57: {  	v54 =	vor.u32 $0x9, v44;
	[tilespmem:s26+$0xFFFFFC10] =	vst v14;
	v18 =	vld.idx.msk [tilespmem:v62+s12+$0x0], $0xffff  }
0x58: {  	v9 =	vor.u32 $0x12, v44;
	[tilespmem:s26+$0x610] =	vst v27;
	v27 =	vld.idx.msk [tilespmem:v63+s12+$0x0], $0xffff  }
0x59: {  	[tilespmem:s26+$0xFFFFFE10] =	vst v20;
	v42 =	vld.idx.msk [tilespmem:v5+s12+$0x0], $0xffff;
	v5 =	vor.u32 $0x18, v44  }
0x5a: {  	[tilespmem:s26+$0x410] =	vst v25;
	v14 =	vld.idx.msk [tilespmem:v4+s12+$0x0], $0xffff;
	v4 =	vor.u32 $0x16, v44  }
0x5b: {  	[tilespmem:s26+$0xA10] =	vst v34;
	v34 =	vor.u32 $0x19, v44;
	v30 =	vld.idx.msk [tilespmem:v13+s12+$0x0], $0xffff  }
0x5c: {  	[tilespmem:s26+$0x810] =	vst v28;
	v28 =	vor.u32 $0x1A, v44;
	v13 =	vld.idx.msk [tilespmem:v54+s12+$0x0], $0xffff  }
0x5d: {  	[tilespmem:s26+$0xC10] =	vst v36;
	v25 =	vor.u32 $0x1B, v44;
	v20 =	vld.idx.msk [tilespmem:v9+s12+$0x0], $0xffff  }
0x5e: {  	[tilespmem:s26+$0xE10] =	vst v40;
	v9 =	vor.u32 $0x1C, v44;
	v36 =	vld.idx.msk [tilespmem:v5+s12+$0x0], $0xffff  }
0x5f: {  	s28 =	simm.s32 $0x0;
	s29 =	simm.s32 $0x20;
	s24 =	sand.u32 $0x7C0, s24;
	v43 =	vor.u32 $0x1E, v44;
	v12 =	vor.u32 $0x1D, v44;
	[tilespmem:s26+$0x1010] =	vst v41;
	v44 =	vor.u32 $0x1F, v44;
	v22 =	vld.idx.msk [tilespmem:v4+s12+$0x0], $0xffff  }
.LBB2_3:
0x60: {  	v41 =	vld.idx.msk [tilespmem:v34+s12+$0x0], $0xffff;
	[tilespmem:s26+$0x1210] =	vst v38  }
0x61: {  	v40 =	vld.idx.msk [tilespmem:v28+s12+$0x0], $0xffff;
	[tilespmem:s26+$0x1410] =	vst v39  }
0x62: {  	v39 =	vld.idx.msk [tilespmem:v25+s12+$0x0], $0xffff;
	[tilespmem:s26+$0x1610] =	vst v37  }
0x63: {  	v1 =	vmov s29;
	v38 =	vld.idx.msk [tilespmem:v9+s12+$0x0], $0xffff;
	[tilespmem:s26+$0x1810] =	vst v35  }
0x64: {  	s30 =	sadd.s32 $0x10, s29;
	v35 =	vld.idx.msk [tilespmem:v12+s12+$0x0], $0xffff;
	[tilespmem:s26+$0x1A10] =	vst v31;
	v1 =	vshll.u32 v1, $0x5  }
0x65: {  	v31 =	vld.idx.msk [tilespmem:v43+s12+$0x0], $0xffff;
	[tilespmem:s26+$0x1C10] =	vst v32;
	v2 =	vmov s30;
	v0 =	vor.u32 v45, v1  }
0x66: {  	v60 =	vshll.u32 v2, $0x5;
	v2 =	vld.idx.msk [tilespmem:v44+s12+$0x0], $0xffff;
	[tilespmem:s26+$0xFFFFE200] =	vst v33;
	v61 =	vor.u32 $0x2, v0  }
0x67: {  	v62 =	vor.u32 $0x4, v0;
	[tilespmem:$0x1FF80] =	vst v61  }
0x68: {  	v63 =	vor.u32 $0x6, v0;
	[tilespmem:$0x1FF90] =	vst v62  }
0x69: {  	v32 =	vor.u32 $0x8, v0;
	[tilespmem:$0x1FFA0] =	vst v63  }
0x6a: {  	v37 =	vor.u32 v45, v60;
	v34 =	vor.u32 $0xC, v0;
	[tilespmem:$0x1FFB0] =	vst v32  }
0x6b: {  	[tilespmem:$0x1FFC0] =	vst v34  }
0x6c: {  	v9 =	vor.u32 $0x1, v37;
	v32 =	vld.idx.msk [tilespmem:v0+s12+$0x0], $0xffff;
	[tilespmem:s26+$0xFFFFE400] =	vst v30  }
0x6d: {  	v12 =	vor.u32 $0x2, v37;
	[tilespmem:s26+$0xFFFFE600] =	vst v29  }
0x6e: {  	v4 =	vor.u32 $0x3, v37;
	[tilespmem:s26+$0xFFFFE800] =	vst v26  }
0x6f: {  	v3 =	vor.u32 $0x4, v37;
	v30 =	vld.idx.msk [tilespmem:v37+s12+$0x0], $0xffff;
	[tilespmem:s26+$0xFFFFEA00] =	vst v24  }
0x70: {  	v25 =	vor.u32 $0x5, v37;
	[tilespmem:s26+$0x1E00] =	vst v2;
	v2 =	vld [tilespmem:$0x1FFD0]  }
0x71: {  	v1 =	vor.u32 $0xB, v37;
	[tilespmem:s26+$0xFFFFEC00] =	vst v23;
	v29 =	vld.idx.msk [tilespmem:v9+s12+$0x0], $0xffff  }
0x72: {  	v5 =	vor.u32 $0xC, v37;
	[tilespmem:s26+$0xFFFFEE00] =	vst v19;
	v26 =	vld.idx.msk [tilespmem:v12+s12+$0x0], $0xffff  }
0x73: {  	[tilespmem:s26+$0xFFFFF800] =	vst v42;
	v42 =	vor.u32 $0xF, v37;
	v24 =	vld.idx.msk [tilespmem:v4+s12+$0x0], $0xffff  }
0x74: {  	[tilespmem:s26+$0xFFFFFA00] =	vst v6;
	v6 =	vor.u32 $0x10, v37;
	v23 =	vld.idx.msk [tilespmem:v3+s12+$0x0], $0xffff  }
0x75: {  	v52 =	vor.u32 $0x1, v0;
	v53 =	vor.u32 $0x3, v0;
	[tilespmem:s26+$0xFFFFFC00] =	vst v8;
	v8 =	vor.u32 $0x11, v37;
	v19 =	vld.idx.msk [tilespmem:v25+s12+$0x0], $0xffff  }
0x76: {  	v54 =	vor.u32 $0x5, v0;
	v55 =	vor.u32 $0x7, v0;
	[tilespmem:s26+$0xFFFFFE00] =	vst v11;
	v11 =	vor.u32 $0x12, v37;
	v1 =	vld.idx.msk [tilespmem:v1+s12+$0x0], $0xffff  }
0x77: {  	v51 =	vor.u32 $0xA, v0;
	v56 =	vor.u32 $0xB, v0;
	[tilespmem:s26+$0x0] =	vst v14;
	v14 =	vor.u32 $0x13, v37;
	v5 =	vld.idx.msk [tilespmem:v5+s12+$0x0], $0xffff  }
0x78: {  	v57 =	vor.u32 $0xD, v0;
	v45 =	vor.u32 $0xE, v0;
	[tilespmem:s26+$0x200] =	vst v16;
	v9 =	vor.u32 $0x6, v37;
	v16 =	vld.idx.msk [tilespmem:v42+s12+$0x0], $0xffff  }
0x79: {  	v58 =	vor.u32 $0xF, v0;
	v46 =	vor.u32 $0x10, v0;
	[tilespmem:s26+$0x400] =	vst v20;
	v12 =	vor.u32 $0x7, v37;
	v20 =	vld.idx.msk [tilespmem:v6+s12+$0x0], $0xffff  }
0x7a: {  	v59 =	vor.u32 $0x11, v0;
	v47 =	vor.u32 $0x12, v0;
	[tilespmem:s26+$0x600] =	vst v21;
	v4 =	vor.u32 $0x8, v37;
	v21 =	vld.idx.msk [tilespmem:v8+s12+$0x0], $0xffff  }
0x7b: {  	v60 =	vor.u32 $0x13, v0;
	v48 =	vor.u32 $0x14, v0;
	[tilespmem:s26+$0x800] =	vst v17;
	v3 =	vor.u32 $0x9, v37;
	v17 =	vld.idx.msk [tilespmem:v11+s12+$0x0], $0xffff  }
0x7c: {  	v49 =	vor.u32 $0x16, v0;
	v33 =	vor.u32 $0xA, v37;
	v50 =	vor.u32 $0x18, v0;
	[tilespmem:s26+$0xA00] =	vst v18;
	v18 =	vld.idx.msk [tilespmem:v14+s12+$0x0], $0xffff  }
0x7d: {  	v28 =	vor.u32 $0x1A, v0;
	v43 =	vor.u32 $0x1E, v0;
	[tilespmem:s26+$0xFFFFF000] =	vst v15;
	v42 =	vor.u32 $0x14, v37;
	v15 =	vld.idx.msk [tilespmem:v9+s12+$0x0], $0xffff  }
0x7e: {  	v44 =	vor.u32 $0x1F, v0;
	v63 =	vor.u32 $0x9, v0;
	[tilespmem:s26+$0xFFFFF200] =	vst v13;
	v6 =	vor.u32 $0x15, v37;
	v13 =	vld.idx.msk [tilespmem:v12+s12+$0x0], $0xffff  }
0x7f: {  	v61 =	vor.u32 $0x15, v0;
	v62 =	vor.u32 $0x17, v0;
	[tilespmem:s26+$0xFFFFF400] =	vst v10;
	v8 =	vor.u32 $0x16, v37;
	v10 =	vld.idx.msk [tilespmem:v4+s12+$0x0], $0xffff  }
0x80: {  	v34 =	vor.u32 $0x19, v0;
	[tilespmem:s26+$0xFFFFF600] =	vst v7;
	v25 =	vor.u32 $0x1B, v0;
	v11 =	vor.u32 $0x17, v37;
	v7 =	vld.idx.msk [tilespmem:v3+s12+$0x0], $0xffff  }
0x81: {  	v14 =	vor.u32 $0x18, v37;
	v9 =	vor.u32 $0x1C, v0;
	v12 =	vor.u32 $0x1D, v0;
	v0 =	vld.idx.msk [tilespmem:v33+s12+$0x0], $0xffff  }
0x82: {  	[tilespmem:s26+$0xC00] =	vst v22;
	v4 =	vor.u32 $0xD, v37;
	v22 =	vld.idx.msk [tilespmem:v42+s12+$0x0], $0xffff  }
0x83: {  	[tilespmem:s26+$0xE00] =	vst v27;
	v3 =	vor.u32 $0xE, v37;
	v27 =	vld.idx.msk [tilespmem:v6+s12+$0x0], $0xffff  }
0x84: {  	[tilespmem:s26+$0x1000] =	vst v36;
	v33 =	vor.u32 $0x1F, v37;
	v36 =	vld.idx.msk [tilespmem:v8+s12+$0x0], $0xffff  }
0x85: {  	[tilespmem:s26+$0x1200] =	vst v41;
	v6 =	vor.u32 $0x19, v37;
	v41 =	vld.idx.msk [tilespmem:v11+s12+$0x0], $0xffff  }
0x86: {  	[tilespmem:s26+$0x1400] =	vst v40;
	v8 =	vor.u32 $0x1A, v37;
	v40 =	vld.idx.msk [tilespmem:v14+s12+$0x0], $0xffff  }
0x87: {  	v11 =	vor.u32 $0x1B, v37;
	v4 =	vld.idx.msk [tilespmem:v4+s12+$0x0], $0xffff  }
0x88: {  	v14 =	vor.u32 $0x1C, v37;
	v3 =	vld.idx.msk [tilespmem:v3+s12+$0x0], $0xffff  }
0x89: {  	v42 =	vor.u32 $0x1D, v37;
	v33 =	vld.idx.msk [tilespmem:v33+s12+$0x0], $0xffff  }
0x8a: {  	[tilespmem:s26+$0x1800] =	vst v38;
	v38 =	vld.idx.msk [tilespmem:v6+s12+$0x0], $0xffff  }
0x8b: {  	[tilespmem:s26+$0x1600] =	vst v39;
	v39 =	vld.idx.msk [tilespmem:v8+s12+$0x0], $0xffff  }
0x8c: {  	[tilespmem:s26+$0x1A00] =	vst v35;
	v6 =	vor.u32 $0x1E, v37;
	v37 =	vld.idx.msk [tilespmem:v11+s12+$0x0], $0xffff  }
0x8d: {  	v35 =	vld.idx.msk [tilespmem:v14+s12+$0x0], $0xffff;
	[tilespmem:s26+$0xFFFFE010] =	vst v2  }
0x8e: {  	[tilespmem:s26+$0x1C00] =	vst v31;
	v31 =	vld.idx.msk [tilespmem:v42+s12+$0x0], $0xffff  }
0x8f: {  	v42 =	vld [tilespmem:$0x1FFE0];
	_ =	sdelay $0x4  }
0x90: {  	[tilespmem:s26+$0xFFFFE000] =	vst v42;
	s26 =	sadd.s32 $0x20, s26;
	v42 =	vmov v32;
	v32 =	vld.idx.msk [tilespmem:v6+s12+$0x0], $0xffff  }
0x91: {  	[tilespmem:s26+$0x1E10] =	vst v33;
	v33 =	vld.idx.msk [tilespmem:v52+s12+$0x0], $0xffff  }
0x92: {  	v52 =	vld [tilespmem:$0x1FF80]  }
0x93: {  	[tilespmem:s26+$0xFFFFE210] =	vst v29;
	v29 =	vld.idx.msk [tilespmem:v53+s12+$0x0], $0xffff  }
0x94: {  	v53 =	vld [tilespmem:$0x1FF90]  }
0x95: {  	[tilespmem:s26+$0xFFFFE610] =	vst v24;
	v24 =	vld.idx.msk [tilespmem:v54+s12+$0x0], $0xffff  }
0x96: {  	v54 =	vld [tilespmem:$0x1FFA0]  }
0x97: {  	v2 =	vmov v30;
	[tilespmem:s26+$0xFFFFEA10] =	vst v19;
	v19 =	vld.idx.msk [tilespmem:v55+s12+$0x0], $0xffff  }
0x98: {  	[tilespmem:$0x1FFD0] =	vst v2;
	v55 =	vld [tilespmem:$0x1FFB0]  }
0x99: {  	[tilespmem:s26+$0xFFFFEE10] =	vst v13;
	v13 =	vld.idx.msk [tilespmem:v63+s12+$0x0], $0xffff  }
0x9a: {  	[tilespmem:s26+$0xFFFFF010] =	vst v10;
	v10 =	vld.idx.msk [tilespmem:v51+s12+$0x0], $0xffff  }
0x9b: {  	[tilespmem:s26+$0xFFFFF210] =	vst v7;
	v7 =	vld.idx.msk [tilespmem:v56+s12+$0x0], $0xffff  }
0x9c: {  	[tilespmem:$0x1FFE0] =	vst v42;
	v63 =	vld [tilespmem:$0x1FFC0]  }
0x9d: {  	[tilespmem:s26+$0xFFFFE410] =	vst v26;
	v6 =	vld.idx.msk [tilespmem:v57+s12+$0x0], $0xffff  }
0x9e: {  	[tilespmem:s26+$0xFFFFE810] =	vst v23;
	v8 =	vld.idx.msk [tilespmem:v45+s12+$0x0], $0xffff  }
0x9f: {  	[tilespmem:s26+$0xFFFFEC10] =	vst v15;
	v45 =	vld [tilespmem:$0x1FFF0]  }
0xa0: {  	[tilespmem:s26+$0xFFFFF410] =	vst v0;
	v11 =	vld.idx.msk [tilespmem:v58+s12+$0x0], $0xffff  }
0xa1: {  	[tilespmem:s26+$0xFFFFF610] =	vst v1;
	v14 =	vld.idx.msk [tilespmem:v46+s12+$0x0], $0xffff  }
0xa2: {  	[tilespmem:s26+$0xFFFFFE10] =	vst v16;
	v16 =	vld.idx.msk [tilespmem:v59+s12+$0x0], $0xffff  }
0xa3: {  	[tilespmem:s26+$0x10] =	vst v20;
	v20 =	vld.idx.msk [tilespmem:v47+s12+$0x0], $0xffff  }
0xa4: {  	[tilespmem:s26+$0x210] =	vst v21;
	v21 =	vld.idx.msk [tilespmem:v60+s12+$0x0], $0xffff  }
0xa5: {  	[tilespmem:s26+$0x410] =	vst v17;
	v17 =	vld.idx.msk [tilespmem:v48+s12+$0x0], $0xffff  }
0xa6: {  	[tilespmem:s26+$0x610] =	vst v18;
	v18 =	vld.idx.msk [tilespmem:v61+s12+$0x0], $0xffff  }
0xa7: {  	[tilespmem:s26+$0x810] =	vst v22;
	v22 =	vld.idx.msk [tilespmem:v49+s12+$0x0], $0xffff  }
0xa8: {  	s28 =	sadd.s32 $0x2, s28;
	[tilespmem:s26+$0xA10] =	vst v27;
	v27 =	vld.idx.msk [tilespmem:v62+s12+$0x0], $0xffff  }
0xa9: {  	p0 =	slt.u32 s28, $0x1E;
	[tilespmem:s26+$0xC10] =	vst v36;
	v36 =	vld.idx.msk [tilespmem:v50+s12+$0x0], $0xffff  }
.Ltmp0:
0xaa: {  	[tilespmem:s26+$0xFFFFF810] =	vst v5;
	v30 =	vld.idx.msk [tilespmem:v52+s12+$0x0], $0xffff;
	(pc) =	sbr.rel @p0 .LBB2_3-.Ltmp0, $4  }
0xab: {  	[tilespmem:s26+$0xFFFFFA10] =	vst v4;
	v26 =	vld.idx.msk [tilespmem:v53+s12+$0x0], $0xffff  }
0xac: {  	[tilespmem:s26+$0xFFFFFC10] =	vst v3;
	v23 =	vld.idx.msk [tilespmem:v54+s12+$0x0], $0xffff  }
0xad: {  	[tilespmem:s26+$0xE10] =	vst v41;
	v15 =	vld.idx.msk [tilespmem:v55+s12+$0x0], $0xffff  }
0xae: {  	s29 =	sadd.s32 $0x20, s29;
	[tilespmem:s26+$0x1010] =	vst v40;
	v42 =	vld.idx.msk [tilespmem:v63+s12+$0x0], $0xffff  }
0xaf: {  	_ =	sdelay $0x3  }
0xb0: {  	v0 =	vld.idx.msk [tilespmem:v34+s12+$0x0], $0xffff;
	[tilespmem:s26+$0x1210] =	vst v38  }
0xb1: {  	v1 =	vld.idx.msk [tilespmem:v28+s12+$0x0], $0xffff;
	[tilespmem:s26+$0x1410] =	vst v39  }
0xb2: {  	v2 =	vld.idx.msk [tilespmem:v25+s12+$0x0], $0xffff;
	[tilespmem:s26+$0x1610] =	vst v37  }
0xb3: {  	v3 =	vld.idx.msk [tilespmem:v9+s12+$0x0], $0xffff;
	[tilespmem:s26+$0x1810] =	vst v35  }
0xb4: {  	v4 =	vld.idx.msk [tilespmem:v12+s12+$0x0], $0xffff;
	[tilespmem:s26+$0x1A10] =	vst v31  }
0xb5: {  	v5 =	vld.idx.msk [tilespmem:v43+s12+$0x0], $0xffff;
	[tilespmem:s26+$0x1C10] =	vst v32  }
0xb6: {  	v9 =	vld.idx.msk [tilespmem:v44+s12+$0x0], $0xffff;
	[tilespmem:s26+$0xFFFFE200] =	vst v33  }
0xb7: {  	[tilespmem:s26+$0xFFFFE400] =	vst v30  }
0xb8: {  	[tilespmem:s26+$0xFFFFE600] =	vst v29  }
0xb9: {  	[tilespmem:s26+$0xFFFFEA00] =	vst v24  }
0xba: {  	[tilespmem:s26+$0xFFFFEE00] =	vst v19  }
0xbb: {  	[tilespmem:s26+$0xFFFFF200] =	vst v13  }
0xbc: {  	[tilespmem:s26+$0xFFFFF400] =	vst v10  }
0xbd: {  	[tilespmem:s26+$0xFFFFF600] =	vst v7  }
0xbe: {  	[tilespmem:s26+$0xFFFFFA00] =	vst v6  }
0xbf: {  	[tilespmem:s26+$0xFFFFFC00] =	vst v8  }
0xc0: {  	[tilespmem:s26+$0xFFFFFE00] =	vst v11  }
0xc1: {  	[tilespmem:s26+$0x0] =	vst v14  }
0xc2: {  	[tilespmem:s26+$0x200] =	vst v16  }
0xc3: {  	[tilespmem:s26+$0x400] =	vst v20  }
0xc4: {  	[tilespmem:s26+$0x600] =	vst v21  }
0xc5: {  	[tilespmem:s26+$0x800] =	vst v17  }
0xc6: {  	[tilespmem:s26+$0xA00] =	vst v18  }
0xc7: {  	[tilespmem:s26+$0xC00] =	vst v22  }
0xc8: {  	[tilespmem:s26+$0xE00] =	vst v27  }
0xc9: {  	[tilespmem:s26+$0x1000] =	vst v36  }
0xca: {  	[tilespmem:s26+$0xFFFFE800] =	vst v26  }
0xcb: {  	[tilespmem:s26+$0xFFFFEC00] =	vst v23  }
0xcc: {  	[tilespmem:s26+$0xFFFFF000] =	vst v15  }
0xcd: {  	[tilespmem:s26+$0xFFFFF800] =	vst v42  }
0xce: {  	[tilespmem:s26+$0x1200] =	vst v0  }
0xcf: {  	[tilespmem:s26+$0x1400] =	vst v1  }
0xd0: {  	[tilespmem:s26+$0x1600] =	vst v2  }
0xd1: {  	[tilespmem:s26+$0x1800] =	vst v3  }
0xd2: {  	[tilespmem:s26+$0x1A00] =	vst v4  }
0xd3: {  	[tilespmem:s26+$0x1C00] =	vst v5  }
0xd4: {  	[tilespmem:s26+$0x1E00] =	vst v9  }
0xd5: {  	v0 =	vld [tilespmem:$0x1FFD0];
	_ =	sdelay $0x4  }
0xd6: {  	[tilespmem:s26+$0xFFFFE010] =	vst v0  }
0xd7: {  	v0 =	vld [tilespmem:$0x1FFE0]  }
0xd8: {  	s28 =	sadd.s32 s5, s25  }
0xd9: {  	s29 =	sshll.u32 s28, $0x6  }
0xda: {  	s28 =	sshll.u32 s28, $0xB;
	s29 =	sand.u32 $0x780, s29  }
0xdb: {  	p0 =	seq.s32 s22, $0x18;
	s28 =	sand.u32 $0xFFF0000, s28;
	s29 =	sadd.s32 s6, s29  }
0xdc: {  	s25 =	sadd.s32 @!p0 s25, s8;
	s29 =	sadd.s32 s28, s29;
	[tilespmem:s26+$0xFFFFE000] =	vst v0  }
0xdd: {  	[hbm4b:s29+s11] =	stream.strided.scatter [tilespmem:s16], [sflag:$0x3], $0x4000, s15, s11, $0x38;
	[tilespmem:$0x10400] =	vst v63  }
0xde: {  	s25 =	sshll.u32 @!p0 s25, $0x6;
	_ =	swait.ge [sflag:s17], $0x4000  }
0xdf: {  	s25 =	sand.u32 @!p0 $0xFFFFF80, s25;
	[sflag:s17] =	ssyncset.done $0x0  }
0xe0: {  	s25 =	sadd.s32 @!p0 s2, s25;
	s26 =	simm.s32 @!p0 $0x0;
	[sflag:s17] =	ssyncadd.s32 $0xFFFFC000  }
0xe1: {  	[tilespmem:s26], [sflag:$0x5] =	stream.linear.gather @!p0 [hbm4b:s25+s26], $0x200, $0x38;
	[tilespmem:$0x10400] =	vst v63  }
0xe2: {  	s25 =	simm.s32 @!p0 $0x5  }
0xe3: {  	s30 =	simm.s32 $0x10;
	_ =	swait.ge @!p0 [sflag:s25], $0x200  }
0xe4: {  	p1 =	seq.s32 @!p0 s22, $0x0;
	v43 =	vmov s30;
	[sflag:s25] =	ssyncset.done @!p0 $0x0  }
0xe5: {  	s28 =	simm.s32 @!p0 $0x400;
	v0 =	vshll.u32 v43, $0x5;
	[sflag:s25] =	ssyncadd.s32 @!p0 $0xFFFFFE00;
	s25 =	simm.s32 @!p0 $0x200  }
0xe6: {  	v0 =	vor.u32 v45, v0;
	[tilespmem:s28], [sflag:$0x1] =	stream.indirect.gather @!p0 [hbm4b:s4+s25], $0x20, s26, s25, $0xb8;
	[tilespmem:$0x10400] =	vst v63  }
0xe7: {  	p0 =	por p0, !p1  }
0xe8: {  	_ =	swait.ge @p0 [sflag:s20], $0x4000  }
0xe9: {  	[sflag:s20] =	ssyncset.done @p0 $0x0  }
0xea: {  	[sflag:s20] =	ssyncadd.s32 @p0 $0xFFFFC000  }
0xeb: {  	v5 =	vld.idx.msk [tilespmem:v0+s14+$0x0], $0xffff  }
0xec: {  	v44 =	vor.u32 $0x1, v0  }
0xed: {  	v46 =	vor.u32 $0x2, v0  }
0xee: {  	v47 =	vor.u32 $0x3, v0  }
0xef: {  	v4 =	vor.u32 $0x4, v0  }
0xf0: {  	v6 =	vor.u32 $0x6, v0;
	[tilespmem:$0x1FF60] =	vst v5  }
0xf1: {  	v7 =	vor.u32 $0x7, v0;
	v1 =	vld.idx.msk [tilespmem:v44+s14+$0x0], $0xffff  }
0xf2: {  	v8 =	vor.u32 $0x8, v0;
	v2 =	vld.idx.msk [tilespmem:v46+s14+$0x0], $0xffff  }
0xf3: {  	v9 =	vor.u32 $0x9, v0;
	v3 =	vld.idx.msk [tilespmem:v47+s14+$0x0], $0xffff  }
0xf4: {  	v10 =	vor.u32 $0xA, v0;
	v4 =	vld.idx.msk [tilespmem:v4+s14+$0x0], $0xffff  }
0xf5: {  	v11 =	vor.u32 $0xB, v0;
	v6 =	vld.idx.msk [tilespmem:v6+s14+$0x0], $0xffff  }
0xf6: {  	v12 =	vor.u32 $0xC, v0;
	v7 =	vld.idx.msk [tilespmem:v7+s14+$0x0], $0xffff  }
0xf7: {  	v13 =	vor.u32 $0xD, v0;
	v8 =	vld.idx.msk [tilespmem:v8+s14+$0x0], $0xffff  }
0xf8: {  	v14 =	vor.u32 $0xE, v0;
	v9 =	vld.idx.msk [tilespmem:v9+s14+$0x0], $0xffff  }
0xf9: {  	v15 =	vor.u32 $0xF, v0;
	v10 =	vld.idx.msk [tilespmem:v10+s14+$0x0], $0xffff  }
0xfa: {  	v17 =	vor.u32 $0x11, v0;
	v16 =	vld.idx.msk [tilespmem:v11+s14+$0x0], $0xffff  }
0xfb: {  	s31 =	simm.s32 $0x0;
	v19 =	vor.u32 $0x13, v0;
	v12 =	vld.idx.msk [tilespmem:v12+s14+$0x0], $0xffff  }
0xfc: {  	v23 =	vmov s31;
	v22 =	vor.u32 $0x16, v0;
	v18 =	vld.idx.msk [tilespmem:v13+s14+$0x0], $0xffff  }
0xfd: {  	v23 =	vshll.u32 v23, $0x5;
	v24 =	vor.u32 $0x1D, v0;
	v14 =	vld.idx.msk [tilespmem:v14+s14+$0x0], $0xffff  }
0xfe: {  	v50 =	vor.u32 v45, v23;
	v20 =	vld.idx.msk [tilespmem:v15+s14+$0x0], $0xffff  }
0xff: {  	v11 =	vor.u32 $0x10, v0;
	v17 =	vld.idx.msk [tilespmem:v17+s14+$0x0], $0xffff  }
0x100: {  	v13 =	vor.u32 $0x12, v0;
	v27 =	vld.idx.msk [tilespmem:v19+s14+$0x0], $0xffff  }
0x101: {  	v5 =	vor.u32 $0x5, v0;
	v49 =	vld.idx.msk [tilespmem:v22+s14+$0x0], $0xffff  }
0x102: {  	v15 =	vor.u32 $0x14, v0;
	v31 =	vld.idx.msk [tilespmem:v24+s14+$0x0], $0xffff  }
0x103: {  	v19 =	vor.u32 $0x18, v0;
	v23 =	vld.idx.msk [tilespmem:v50+s14+$0x0], $0xffff  }
0x104: {  	v21 =	vld.idx.msk [tilespmem:v11+s14+$0x0], $0xffff;
	v11 =	vor.u32 $0x15, v0  }
0x105: {  	v25 =	vld.idx.msk [tilespmem:v13+s14+$0x0], $0xffff;
	v13 =	vor.u32 $0x17, v0  }
0x106: {  	v22 =	vor.u32 $0x1A, v0;
	v5 =	vld.idx.msk [tilespmem:v5+s14+$0x0], $0xffff  }
0x107: {  	v28 =	vld.idx.msk [tilespmem:v15+s14+$0x0], $0xffff;
	v15 =	vor.u32 $0x1F, v0  }
0x108: {  	v41 =	vld.idx.msk [tilespmem:v19+s14+$0x0], $0xffff;
	v19 =	vor.u32 $0x1C, v0  }
0x109: {  	v48 =	vld.idx.msk [tilespmem:v11+s14+$0x0], $0xffff;
	v11 =	vor.u32 $0x19, v0  }
0x10a: {  	v40 =	vld.idx.msk [tilespmem:v13+s14+$0x0], $0xffff;
	v13 =	vor.u32 $0x1B, v0  }
0x10b: {  	v39 =	vld.idx.msk [tilespmem:v22+s14+$0x0], $0xffff;
	v0 =	vor.u32 $0x1E, v0  }
0x10c: {  	v15 =	vld.idx.msk [tilespmem:v15+s14+$0x0], $0xffff  }
0x10d: {  	v35 =	vld.idx.msk [tilespmem:v19+s14+$0x0], $0xffff;
	v19 =	vor.u32 $0x3, v50  }
0x10e: {  	v22 =	vor.u32 $0x4, v50;
	v38 =	vld.idx.msk [tilespmem:v11+s14+$0x0], $0xffff  }
0x10f: {  	v51 =	vor.u32 $0x5, v50;
	v37 =	vld.idx.msk [tilespmem:v13+s14+$0x0], $0xffff  }
0x110: {  	v52 =	vor.u32 $0x7, v50;
	s25 =	simm.s32 $0xE400;
	v32 =	vld.idx.msk [tilespmem:v0+s14+$0x0], $0xffff;
	[tilespmem:$0x1FF70] =	vst v23  }
0x111: {  	v55 =	vor.u32 $0xB, v50;
	[tilespmem:s25+$0x1E10] =	vst v15  }
0x112: {  	v56 =	vor.u32 $0xD, v50;
	[tilespmem:s25+$0xFFFFE210] =	vst v1;
	v29 =	vld.idx.msk [tilespmem:v19+s14+$0x0], $0xffff  }
0x113: {  	v57 =	vor.u32 $0xE, v50;
	[tilespmem:s25+$0xFFFFE410] =	vst v2;
	v26 =	vld.idx.msk [tilespmem:v22+s14+$0x0], $0xffff  }
0x114: {  	v58 =	vor.u32 $0xF, v50;
	[tilespmem:s25+$0xFFFFE610] =	vst v3;
	v24 =	vld.idx.msk [tilespmem:v51+s14+$0x0], $0xffff  }
0x115: {  	v59 =	vor.u32 $0x11, v50;
	[tilespmem:s25+$0xFFFFE810] =	vst v4;
	v19 =	vld.idx.msk [tilespmem:v52+s14+$0x0], $0xffff  }
0x116: {  	v60 =	vor.u32 $0x13, v50;
	[tilespmem:s25+$0xFFFFEE10] =	vst v7;
	v7 =	vld.idx.msk [tilespmem:v55+s14+$0x0], $0xffff  }
0x117: {  	v61 =	vor.u32 $0x14, v50;
	[tilespmem:s25+$0xFFFFEC10] =	vst v6;
	v6 =	vld.idx.msk [tilespmem:v56+s14+$0x0], $0xffff  }
0x118: {  	v62 =	vor.u32 $0x15, v50;
	[tilespmem:s25+$0xFFFFF010] =	vst v8;
	v8 =	vld.idx.msk [tilespmem:v57+s14+$0x0], $0xffff  }
0x119: {  	v11 =	vor.u32 $0x1, v50;
	[tilespmem:s25+$0xFFFFF810] =	vst v12;
	v12 =	vld.idx.msk [tilespmem:v58+s14+$0x0], $0xffff  }
0x11a: {  	v4 =	vor.u32 $0xA, v50;
	[tilespmem:s25+$0xFFFFF610] =	vst v16;
	v16 =	vld.idx.msk [tilespmem:v59+s14+$0x0], $0xffff  }
0x11b: {  	v63 =	vor.u32 $0x17, v50;
	[tilespmem:s25+$0x10] =	vst v21;
	v21 =	vld.idx.msk [tilespmem:v60+s14+$0x0], $0xffff  }
0x11c: {  	v13 =	vor.u32 $0x2, v50;
	[tilespmem:s25+$0x210] =	vst v17;
	v17 =	vld.idx.msk [tilespmem:v61+s14+$0x0], $0xffff  }
0x11d: {  	v54 =	vor.u32 $0x9, v50;
	[tilespmem:s25+$0xFFFFFA10] =	vst v18;
	v18 =	vld.idx.msk [tilespmem:v62+s14+$0x0], $0xffff  }
0x11e: {  	[tilespmem:s25+$0xFFFFEA10] =	vst v5;
	v5 =	vor.u32 $0xC, v50;
	v33 =	vld.idx.msk [tilespmem:v11+s14+$0x0], $0xffff  }
0x11f: {  	[tilespmem:s25+$0xFFFFF210] =	vst v9;
	v11 =	vld.idx.msk [tilespmem:v4+s14+$0x0], $0xffff;
	v4 =	vor.u32 $0x10, v50  }
0x120: {  	v15 =	vor.u32 $0x6, v50;
	[tilespmem:s25+$0x610] =	vst v27;
	v27 =	vld.idx.msk [tilespmem:v63+s14+$0x0], $0xffff  }
0x121: {  	v53 =	vor.u32 $0x8, v50;
	[tilespmem:s25+$0xFFFFF410] =	vst v10;
	v30 =	vld.idx.msk [tilespmem:v13+s14+$0x0], $0xffff  }
0x122: {  	v9 =	vor.u32 $0x12, v50;
	[tilespmem:s25+$0xFFFFFC10] =	vst v14;
	v13 =	vld.idx.msk [tilespmem:v54+s14+$0x0], $0xffff  }
0x123: {  	[tilespmem:s25+$0xFFFFFE10] =	vst v20;
	v42 =	vld.idx.msk [tilespmem:v5+s14+$0x0], $0xffff;
	v5 =	vor.u32 $0x18, v50  }
0x124: {  	[tilespmem:s25+$0x410] =	vst v25;
	v14 =	vld.idx.msk [tilespmem:v4+s14+$0x0], $0xffff;
	v4 =	vor.u32 $0x16, v50  }
0x125: {  	v34 =	vor.u32 $0x19, v50;
	[tilespmem:s25+$0x810] =	vst v28;
	v23 =	vld.idx.msk [tilespmem:v15+s14+$0x0], $0xffff  }
0x126: {  	[tilespmem:s25+$0xA10] =	vst v48;
	v28 =	vor.u32 $0x1A, v50;
	v15 =	vld.idx.msk [tilespmem:v53+s14+$0x0], $0xffff  }
0x127: {  	[tilespmem:s25+$0xC10] =	vst v49;
	v25 =	vor.u32 $0x1B, v50;
	v20 =	vld.idx.msk [tilespmem:v9+s14+$0x0], $0xffff  }
0x128: {  	[tilespmem:s25+$0xE10] =	vst v40;
	v9 =	vor.u32 $0x1C, v50;
	v36 =	vld.idx.msk [tilespmem:v5+s14+$0x0], $0xffff  }
0x129: {  	v43 =	vor.u32 $0x1E, v50;
	s26 =	simm.s32 $0x0;
	s28 =	simm.s32 $0x20;
	v44 =	vor.u32 $0x1F, v50;
	v10 =	vor.u32 $0x1D, v50;
	[tilespmem:s25+$0x1010] =	vst v41;
	v22 =	vld.idx.msk [tilespmem:v4+s14+$0x0], $0xffff  }
.LBB2_5:
0x12a: {  	v41 =	vld.idx.msk [tilespmem:v34+s14+$0x0], $0xffff;
	[tilespmem:s25+$0x1210] =	vst v38  }
0x12b: {  	v40 =	vld.idx.msk [tilespmem:v28+s14+$0x0], $0xffff;
	[tilespmem:s25+$0x1410] =	vst v39  }
0x12c: {  	v39 =	vld.idx.msk [tilespmem:v25+s14+$0x0], $0xffff;
	[tilespmem:s25+$0x1610] =	vst v37  }
0x12d: {  	v1 =	vmov s28;
	v38 =	vld.idx.msk [tilespmem:v9+s14+$0x0], $0xffff;
	[tilespmem:s25+$0x1810] =	vst v35  }
0x12e: {  	s29 =	sadd.s32 $0x10, s28;
	v35 =	vld.idx.msk [tilespmem:v10+s14+$0x0], $0xffff;
	[tilespmem:s25+$0x1A10] =	vst v31;
	v1 =	vshll.u32 v1, $0x5  }
0x12f: {  	v31 =	vld.idx.msk [tilespmem:v43+s14+$0x0], $0xffff;
	[tilespmem:s25+$0x1C10] =	vst v32;
	v2 =	vmov s29;
	v0 =	vor.u32 v45, v1  }
0x130: {  	v60 =	vshll.u32 v2, $0x5;
	v2 =	vld.idx.msk [tilespmem:v44+s14+$0x0], $0xffff;
	[tilespmem:s25+$0xFFFFE200] =	vst v33;
	v61 =	vor.u32 $0x2, v0  }
0x131: {  	v62 =	vor.u32 $0x4, v0;
	[tilespmem:$0x1FF10] =	vst v61  }
0x132: {  	v63 =	vor.u32 $0x6, v0;
	[tilespmem:$0x1FF20] =	vst v62  }
0x133: {  	v32 =	vor.u32 $0x8, v0;
	[tilespmem:$0x1FF30] =	vst v63  }
0x134: {  	v37 =	vor.u32 v45, v60;
	v34 =	vor.u32 $0xC, v0;
	[tilespmem:$0x1FF40] =	vst v32  }
0x135: {  	[tilespmem:$0x1FF50] =	vst v34  }
0x136: {  	v9 =	vor.u32 $0x1, v37;
	v32 =	vld.idx.msk [tilespmem:v0+s14+$0x0], $0xffff;
	[tilespmem:s25+$0xFFFFE400] =	vst v30  }
0x137: {  	v10 =	vor.u32 $0x2, v37;
	[tilespmem:s25+$0xFFFFE600] =	vst v29  }
0x138: {  	v4 =	vor.u32 $0x3, v37;
	[tilespmem:s25+$0xFFFFE800] =	vst v26  }
0x139: {  	v3 =	vor.u32 $0x4, v37;
	v30 =	vld.idx.msk [tilespmem:v37+s14+$0x0], $0xffff;
	[tilespmem:s25+$0xFFFFEA00] =	vst v24  }
0x13a: {  	v25 =	vor.u32 $0x5, v37;
	[tilespmem:s25+$0x1E00] =	vst v2;
	v2 =	vld [tilespmem:$0x1FF60]  }
0x13b: {  	v1 =	vor.u32 $0xB, v37;
	[tilespmem:s25+$0xFFFFEC00] =	vst v23;
	v29 =	vld.idx.msk [tilespmem:v9+s14+$0x0], $0xffff  }
0x13c: {  	v5 =	vor.u32 $0xC, v37;
	[tilespmem:s25+$0xFFFFEE00] =	vst v19;
	v26 =	vld.idx.msk [tilespmem:v10+s14+$0x0], $0xffff  }
0x13d: {  	[tilespmem:s25+$0xFFFFF800] =	vst v42;
	v42 =	vor.u32 $0xF, v37;
	v24 =	vld.idx.msk [tilespmem:v4+s14+$0x0], $0xffff  }
0x13e: {  	[tilespmem:s25+$0xFFFFFA00] =	vst v6;
	v6 =	vor.u32 $0x10, v37;
	v23 =	vld.idx.msk [tilespmem:v3+s14+$0x0], $0xffff  }
0x13f: {  	v52 =	vor.u32 $0x1, v0;
	v53 =	vor.u32 $0x3, v0;
	[tilespmem:s25+$0xFFFFFC00] =	vst v8;
	v8 =	vor.u32 $0x11, v37;
	v19 =	vld.idx.msk [tilespmem:v25+s14+$0x0], $0xffff  }
0x140: {  	v54 =	vor.u32 $0x5, v0;
	v55 =	vor.u32 $0x7, v0;
	[tilespmem:s25+$0xFFFFFE00] =	vst v12;
	v12 =	vor.u32 $0x12, v37;
	v1 =	vld.idx.msk [tilespmem:v1+s14+$0x0], $0xffff  }
0x141: {  	v51 =	vor.u32 $0xA, v0;
	v56 =	vor.u32 $0xB, v0;
	[tilespmem:s25+$0x0] =	vst v14;
	v14 =	vor.u32 $0x13, v37;
	v5 =	vld.idx.msk [tilespmem:v5+s14+$0x0], $0xffff  }
0x142: {  	v57 =	vor.u32 $0xD, v0;
	v45 =	vor.u32 $0xE, v0;
	[tilespmem:s25+$0x200] =	vst v16;
	v9 =	vor.u32 $0x6, v37;
	v16 =	vld.idx.msk [tilespmem:v42+s14+$0x0], $0xffff  }
0x143: {  	v58 =	vor.u32 $0xF, v0;
	v46 =	vor.u32 $0x10, v0;
	[tilespmem:s25+$0x400] =	vst v20;
	v10 =	vor.u32 $0x7, v37;
	v20 =	vld.idx.msk [tilespmem:v6+s14+$0x0], $0xffff  }
0x144: {  	v59 =	vor.u32 $0x11, v0;
	v47 =	vor.u32 $0x12, v0;
	[tilespmem:s25+$0x600] =	vst v21;
	v4 =	vor.u32 $0x8, v37;
	v21 =	vld.idx.msk [tilespmem:v8+s14+$0x0], $0xffff  }
0x145: {  	v60 =	vor.u32 $0x13, v0;
	v48 =	vor.u32 $0x14, v0;
	[tilespmem:s25+$0x800] =	vst v17;
	v3 =	vor.u32 $0x9, v37;
	v17 =	vld.idx.msk [tilespmem:v12+s14+$0x0], $0xffff  }
0x146: {  	v49 =	vor.u32 $0x16, v0;
	v33 =	vor.u32 $0xA, v37;
	v50 =	vor.u32 $0x18, v0;
	[tilespmem:s25+$0xA00] =	vst v18;
	v18 =	vld.idx.msk [tilespmem:v14+s14+$0x0], $0xffff  }
0x147: {  	v28 =	vor.u32 $0x1A, v0;
	v43 =	vor.u32 $0x1E, v0;
	[tilespmem:s25+$0xFFFFF000] =	vst v15;
	v42 =	vor.u32 $0x14, v37;
	v15 =	vld.idx.msk [tilespmem:v9+s14+$0x0], $0xffff  }
0x148: {  	v44 =	vor.u32 $0x1F, v0;
	v63 =	vor.u32 $0x9, v0;
	[tilespmem:s25+$0xFFFFF200] =	vst v13;
	v6 =	vor.u32 $0x15, v37;
	v13 =	vld.idx.msk [tilespmem:v10+s14+$0x0], $0xffff  }
0x149: {  	v61 =	vor.u32 $0x15, v0;
	v62 =	vor.u32 $0x17, v0;
	[tilespmem:s25+$0xFFFFF400] =	vst v11;
	v8 =	vor.u32 $0x16, v37;
	v11 =	vld.idx.msk [tilespmem:v4+s14+$0x0], $0xffff  }
0x14a: {  	v34 =	vor.u32 $0x19, v0;
	[tilespmem:s25+$0xFFFFF600] =	vst v7;
	v25 =	vor.u32 $0x1B, v0;
	v12 =	vor.u32 $0x17, v37;
	v7 =	vld.idx.msk [tilespmem:v3+s14+$0x0], $0xffff  }
0x14b: {  	v14 =	vor.u32 $0x18, v37;
	v9 =	vor.u32 $0x1C, v0;
	v10 =	vor.u32 $0x1D, v0;
	v0 =	vld.idx.msk [tilespmem:v33+s14+$0x0], $0xffff  }
0x14c: {  	[tilespmem:s25+$0xC00] =	vst v22;
	v4 =	vor.u32 $0xD, v37;
	v22 =	vld.idx.msk [tilespmem:v42+s14+$0x0], $0xffff  }
0x14d: {  	[tilespmem:s25+$0xE00] =	vst v27;
	v3 =	vor.u32 $0xE, v37;
	v27 =	vld.idx.msk [tilespmem:v6+s14+$0x0], $0xffff  }
0x14e: {  	[tilespmem:s25+$0x1000] =	vst v36;
	v33 =	vor.u32 $0x1F, v37;
	v36 =	vld.idx.msk [tilespmem:v8+s14+$0x0], $0xffff  }
0x14f: {  	[tilespmem:s25+$0x1200] =	vst v41;
	v6 =	vor.u32 $0x19, v37;
	v41 =	vld.idx.msk [tilespmem:v12+s14+$0x0], $0xffff  }
0x150: {  	[tilespmem:s25+$0x1400] =	vst v40;
	v8 =	vor.u32 $0x1A, v37;
	v40 =	vld.idx.msk [tilespmem:v14+s14+$0x0], $0xffff  }
0x151: {  	v12 =	vor.u32 $0x1B, v37;
	v4 =	vld.idx.msk [tilespmem:v4+s14+$0x0], $0xffff  }
0x152: {  	v14 =	vor.u32 $0x1C, v37;
	v3 =	vld.idx.msk [tilespmem:v3+s14+$0x0], $0xffff  }
0x153: {  	v42 =	vor.u32 $0x1D, v37;
	v33 =	vld.idx.msk [tilespmem:v33+s14+$0x0], $0xffff  }
0x154: {  	[tilespmem:s25+$0x1800] =	vst v38;
	v38 =	vld.idx.msk [tilespmem:v6+s14+$0x0], $0xffff  }
0x155: {  	[tilespmem:s25+$0x1600] =	vst v39;
	v39 =	vld.idx.msk [tilespmem:v8+s14+$0x0], $0xffff  }
0x156: {  	[tilespmem:s25+$0x1A00] =	vst v35;
	v6 =	vor.u32 $0x1E, v37;
	v37 =	vld.idx.msk [tilespmem:v12+s14+$0x0], $0xffff  }
0x157: {  	v35 =	vld.idx.msk [tilespmem:v14+s14+$0x0], $0xffff;
	[tilespmem:s25+$0xFFFFE010] =	vst v2  }
0x158: {  	[tilespmem:s25+$0x1C00] =	vst v31;
	v31 =	vld.idx.msk [tilespmem:v42+s14+$0x0], $0xffff  }
0x159: {  	v42 =	vld [tilespmem:$0x1FF70];
	_ =	sdelay $0x4  }
0x15a: {  	[tilespmem:s25+$0xFFFFE000] =	vst v42;
	s25 =	sadd.s32 $0x20, s25;
	v42 =	vmov v32;
	v32 =	vld.idx.msk [tilespmem:v6+s14+$0x0], $0xffff  }
0x15b: {  	[tilespmem:s25+$0x1E10] =	vst v33;
	v33 =	vld.idx.msk [tilespmem:v52+s14+$0x0], $0xffff  }
0x15c: {  	v52 =	vld [tilespmem:$0x1FF10]  }
0x15d: {  	[tilespmem:s25+$0xFFFFE210] =	vst v29;
	v29 =	vld.idx.msk [tilespmem:v53+s14+$0x0], $0xffff  }
0x15e: {  	v53 =	vld [tilespmem:$0x1FF20]  }
0x15f: {  	[tilespmem:s25+$0xFFFFE610] =	vst v24;
	v24 =	vld.idx.msk [tilespmem:v54+s14+$0x0], $0xffff  }
0x160: {  	v54 =	vld [tilespmem:$0x1FF30]  }
0x161: {  	v2 =	vmov v30;
	[tilespmem:s25+$0xFFFFEA10] =	vst v19;
	v19 =	vld.idx.msk [tilespmem:v55+s14+$0x0], $0xffff  }
0x162: {  	[tilespmem:$0x1FF60] =	vst v2;
	v55 =	vld [tilespmem:$0x1FF40]  }
0x163: {  	[tilespmem:s25+$0xFFFFEE10] =	vst v13;
	v13 =	vld.idx.msk [tilespmem:v63+s14+$0x0], $0xffff  }
0x164: {  	[tilespmem:s25+$0xFFFFF010] =	vst v11;
	v11 =	vld.idx.msk [tilespmem:v51+s14+$0x0], $0xffff  }
0x165: {  	[tilespmem:s25+$0xFFFFF210] =	vst v7;
	v7 =	vld.idx.msk [tilespmem:v56+s14+$0x0], $0xffff  }
0x166: {  	[tilespmem:$0x1FF70] =	vst v42;
	v63 =	vld [tilespmem:$0x1FF50]  }
0x167: {  	[tilespmem:s25+$0xFFFFE410] =	vst v26;
	v6 =	vld.idx.msk [tilespmem:v57+s14+$0x0], $0xffff  }
0x168: {  	[tilespmem:s25+$0xFFFFE810] =	vst v23;
	v8 =	vld.idx.msk [tilespmem:v45+s14+$0x0], $0xffff  }
0x169: {  	[tilespmem:s25+$0xFFFFEC10] =	vst v15;
	v45 =	vld [tilespmem:$0x1FFF0]  }
0x16a: {  	[tilespmem:s25+$0xFFFFF410] =	vst v0;
	v12 =	vld.idx.msk [tilespmem:v58+s14+$0x0], $0xffff  }
0x16b: {  	[tilespmem:s25+$0xFFFFF610] =	vst v1;
	v14 =	vld.idx.msk [tilespmem:v46+s14+$0x0], $0xffff  }
0x16c: {  	[tilespmem:s25+$0xFFFFFE10] =	vst v16;
	v16 =	vld.idx.msk [tilespmem:v59+s14+$0x0], $0xffff  }
0x16d: {  	[tilespmem:s25+$0x10] =	vst v20;
	v20 =	vld.idx.msk [tilespmem:v47+s14+$0x0], $0xffff  }
0x16e: {  	[tilespmem:s25+$0x210] =	vst v21;
	v21 =	vld.idx.msk [tilespmem:v60+s14+$0x0], $0xffff  }
0x16f: {  	[tilespmem:s25+$0x410] =	vst v17;
	v17 =	vld.idx.msk [tilespmem:v48+s14+$0x0], $0xffff  }
0x170: {  	[tilespmem:s25+$0x610] =	vst v18;
	v18 =	vld.idx.msk [tilespmem:v61+s14+$0x0], $0xffff  }
0x171: {  	[tilespmem:s25+$0x810] =	vst v22;
	v22 =	vld.idx.msk [tilespmem:v49+s14+$0x0], $0xffff  }
0x172: {  	s26 =	sadd.s32 $0x2, s26;
	[tilespmem:s25+$0xA10] =	vst v27;
	v27 =	vld.idx.msk [tilespmem:v62+s14+$0x0], $0xffff  }
0x173: {  	p0 =	slt.u32 s26, $0x1E;
	[tilespmem:s25+$0xC10] =	vst v36;
	v36 =	vld.idx.msk [tilespmem:v50+s14+$0x0], $0xffff  }
.Ltmp1:
0x174: {  	[tilespmem:s25+$0xFFFFF810] =	vst v5;
	v30 =	vld.idx.msk [tilespmem:v52+s14+$0x0], $0xffff;
	(pc) =	sbr.rel @p0 .LBB2_5-.Ltmp1, $4  }
0x175: {  	[tilespmem:s25+$0xFFFFFA10] =	vst v4;
	v26 =	vld.idx.msk [tilespmem:v53+s14+$0x0], $0xffff  }
0x176: {  	[tilespmem:s25+$0xFFFFFC10] =	vst v3;
	v23 =	vld.idx.msk [tilespmem:v54+s14+$0x0], $0xffff  }
0x177: {  	[tilespmem:s25+$0xE10] =	vst v41;
	v15 =	vld.idx.msk [tilespmem:v55+s14+$0x0], $0xffff  }
0x178: {  	s28 =	sadd.s32 $0x20, s28;
	[tilespmem:s25+$0x1010] =	vst v40;
	v42 =	vld.idx.msk [tilespmem:v63+s14+$0x0], $0xffff  }
0x179: {  	_ =	sdelay $0x3  }
0x17a: {  	v0 =	vld.idx.msk [tilespmem:v34+s14+$0x0], $0xffff;
	[tilespmem:s25+$0x1210] =	vst v38  }
0x17b: {  	v1 =	vld.idx.msk [tilespmem:v28+s14+$0x0], $0xffff;
	[tilespmem:s25+$0x1410] =	vst v39  }
0x17c: {  	v2 =	vld.idx.msk [tilespmem:v25+s14+$0x0], $0xffff;
	[tilespmem:s25+$0x1610] =	vst v37  }
0x17d: {  	v3 =	vld.idx.msk [tilespmem:v9+s14+$0x0], $0xffff;
	[tilespmem:s25+$0x1810] =	vst v35  }
0x17e: {  	v4 =	vld.idx.msk [tilespmem:v10+s14+$0x0], $0xffff;
	[tilespmem:s25+$0x1A10] =	vst v31  }
0x17f: {  	v5 =	vld.idx.msk [tilespmem:v43+s14+$0x0], $0xffff;
	[tilespmem:s25+$0x1C10] =	vst v32  }
0x180: {  	v63 =	vld.idx.msk [tilespmem:v44+s14+$0x0], $0xffff;
	[tilespmem:s25+$0xFFFFE200] =	vst v33  }
0x181: {  	[tilespmem:s25+$0xFFFFE400] =	vst v30  }
0x182: {  	[tilespmem:s25+$0xFFFFE600] =	vst v29  }
0x183: {  	[tilespmem:s25+$0xFFFFEA00] =	vst v24  }
0x184: {  	[tilespmem:s25+$0xFFFFEE00] =	vst v19  }
0x185: {  	[tilespmem:s25+$0xFFFFF200] =	vst v13  }
0x186: {  	[tilespmem:s25+$0xFFFFF400] =	vst v11  }
0x187: {  	[tilespmem:s25+$0xFFFFF600] =	vst v7  }
0x188: {  	[tilespmem:s25+$0xFFFFFA00] =	vst v6  }
0x189: {  	[tilespmem:s25+$0xFFFFFC00] =	vst v8  }
0x18a: {  	[tilespmem:s25+$0xFFFFFE00] =	vst v12  }
0x18b: {  	[tilespmem:s25+$0x0] =	vst v14  }
0x18c: {  	[tilespmem:s25+$0x200] =	vst v16  }
0x18d: {  	[tilespmem:s25+$0x400] =	vst v20  }
0x18e: {  	[tilespmem:s25+$0x600] =	vst v21  }
0x18f: {  	[tilespmem:s25+$0x800] =	vst v17  }
0x190: {  	[tilespmem:s25+$0xA00] =	vst v18  }
0x191: {  	[tilespmem:s25+$0xC00] =	vst v22  }
0x192: {  	[tilespmem:s25+$0xE00] =	vst v27  }
0x193: {  	[tilespmem:s25+$0x1000] =	vst v36  }
0x194: {  	[tilespmem:s25+$0xFFFFE800] =	vst v26  }
0x195: {  	[tilespmem:s25+$0xFFFFEC00] =	vst v23  }
0x196: {  	[tilespmem:s25+$0xFFFFF000] =	vst v15  }
0x197: {  	[tilespmem:s25+$0xFFFFF800] =	vst v42  }
0x198: {  	[tilespmem:s25+$0x1200] =	vst v0  }
0x199: {  	[tilespmem:s25+$0x1400] =	vst v1  }
0x19a: {  	[tilespmem:s25+$0x1600] =	vst v2  }
0x19b: {  	[tilespmem:s25+$0x1800] =	vst v3  }
0x19c: {  	[tilespmem:s25+$0x1A00] =	vst v4  }
0x19d: {  	[tilespmem:s25+$0x1C00] =	vst v5  }
0x19e: {  	[tilespmem:s25+$0x1E00] =	vst v63  }
0x19f: {  	v0 =	vld [tilespmem:$0x1FF60];
	_ =	sdelay $0x4  }
0x1a0: {  	[tilespmem:s25+$0xFFFFE010] =	vst v0  }
0x1a1: {  	s22 =	sadd.s32 $0x1, s22;
	v0 =	vld [tilespmem:$0x1FF70]  }
0x1a2: {  	p0 =	sne.s32 s22, $0x19  }
.Ltmp2:
0x1a3: {  	_ = 	snop;
	(pc) =	sbr.rel @p0 .LBB2_2-.Ltmp2, $4  }
0x1a4: {  	s23 =	sshll.u32 s23, $0xB  }
0x1a5: {  	s24 =	sadd.s32 s6, s24;
	s23 =	sand.u32 $0xFFF0000, s23  }
0x1a6: {  	s23 =	sadd.s32 s23, s24;
	[tilespmem:s25+$0xFFFFE000] =	vst v0  }
0x1a7: {  	[hbm4b:s23+s11] =	stream.strided.scatter [tilespmem:s18], [sflag:$0x4], $0x4000, s15, s11, $0x38;
	[tilespmem:$0x10400] =	vst v63  }
0x1a8: {  	s21 =	sadd.s32 $0x1, s21  }
0x1a9: {  	_ =	swait.ge [sflag:s19], $0x4000;
	p0 =	sne.s32 s21, s9  }
.Ltmp3:
0x1aa: {  	[sflag:s19] =	ssyncset.done $0x0;
	(pc) =	sbr.rel @p0 .LBB2_1-.Ltmp3, $4  }
0x1ab: {  	[sflag:s19] =	ssyncadd.s32 $0xFFFFC000  }
0x1ac: {  	_ =	swait.ge [sflag:s20], $0x4000  }
0x1ad: {  	[sflag:s20] =	ssyncset.done $0x0  }
0x1ae: {  	[sflag:s20] =	ssyncadd.s32 $0xFFFFC000  }
0x1af: {  	_ =	sfence.sel $0x180000  }
0x1b0: {  	[bflag:$0x0] =	sbarrier.arrive $0xFFFF  }
0x1b1: {  	p0 =	sne.s32 s0, $0x0;
	_ =	strace $0x90000047  }
0x1b2: {  	s0 =	sadd.s32 @!p0 $0x100000, s1;
	[bflag:$0x2] =	sbarrier.arrive $0xFFFF  }
0x1b3: {  	[sflag:s0] =	ssyncadd.tile.s32 @!p0 $0x1;
	_ =	shalt  }
.Lfunc_end2:
_tile_overlayer_lowered:
.L_overlay_start_2:
0x1b4: {  	(tag) =	ssettag $0x2  }
0x1b5: {  	s0 =	rddreg [dreg:$0x0];
	s2 =	stileid.u32  }
0x1b6: {  	s1 =	rddreg [dreg:$0x1];
	p0 =	sne.s32 s2, $0x0  }
0x1b7: {  	s3 =	rddreg [dreg:$0x2];
	[bflag:$0x3] =	sbarrier.arrive $0xFFFF;
	s2 =	simm.s32 @!p0 $0x1C05  }
0x1b8: {  	[timem:s3], [sflag:s2] =	dma.local @!p0 [hbm:s0], s1  }
0x1b9: {  	s0 =	simm.s32 @!p0 $0x5  }
0x1ba: {  	_ =	swait.ge @!p0 [sflag:s0], s1  }
0x1bb: {  	s1 =	ssub.s32 @!p0 $0x0, s1;
	[sflag:s0] =	ssyncset.done @!p0 $0x0  }
0x1bc: {  	[sflag:s0] =	ssyncadd.s32 @!p0 s1  }
0x1bd: {  	[bflag:$0x3] =	sbarrier.arrive $0xFFFF  }
0x1be: {  	_ =	shalt  }

</sc_bundles>
